<compile_context>
chip_gen: v7x
topology: tpu7x:2x2x1
jax: 0.10.2.dev20260603
libtpu: 0.0.44.dev20260713+nightly
codegen_flags: <defaults>
</compile_context>

<pallas_src>
import functools

import jax
import jax.numpy as jnp
from jax import lax
from jax.experimental import pallas as pl
from jax.experimental.pallas import tpu as pltpu
from jax.experimental.pallas import tpu_sc as plsc

N_EMBED = 1024
EMBED_DIM = 64
BETA = 0.25
B = 16
HW = 1024
N_TOK = B * HW

NC, NS, L = 2, 16, 16
NW = NC * NS
TPW = N_TOK // NW
G = TPW // L


def _tc_main(z_ref, cb_ref, idx_ref, cbt_ref, loss_ref, loss_acc, cbsq_ref):
    b = pl.program_id(0)

    x = z_ref[0]
    cb = cb_ref[...]

    @pl.when(b == 0)
    def _precompute():
        cbsq_ref[...] = jnp.sum(cb * cb, axis=1)[None, :]
        cbt_ref[...] = jnp.transpose(cb, (1, 0))

    zf = jnp.transpose(x, (1, 0))
    a = jnp.sum(zf * zf, axis=1, keepdims=True)
    m = jnp.dot(zf, cb.T, preferred_element_type=jnp.float32)
    d = (a + cbsq_ref[...]) - 2.0 * m

    lane = jax.lax.broadcasted_iota(jnp.int32, (HW, N_EMBED), 1)
    dmin = jnp.min(d, axis=1, keepdims=True)
    idx = jnp.min(jnp.where(d == dmin, lane, N_EMBED), axis=1).astype(jnp.int32)
    idx_ref[0, 0] = idx

    sse = jnp.sum(dmin)

    @pl.when(b == 0)
    def _init():
        loss_acc[0] = sse

    @pl.when(b > 0)
    def _accum():
        loss_acc[0] += sse

    @pl.when(b == B - 1)
    def _finish():
        loss = (1.0 + BETA) * loss_acc[0] / jnp.float32(N_TOK * EMBED_DIM)
        lane_s = jax.lax.broadcasted_iota(jnp.int32, (1, 128), 1)
        loss_ref[...] = jnp.where(lane_s == 0, loss, 0.0)


def _sc_body(cbt_hbm, idx_hbm, out_hbm, counts_hbm,
             idx_v, cbt_v, blk_v, ones_v, zeros_v, shared):
    c = lax.axis_index("c")
    s = lax.axis_index("s")
    w = s * NC + c
    base = w * TPW

    pltpu.sync_copy(idx_hbm.at[pl.ds(base, TPW)], idx_v)
    pltpu.sync_copy(cbt_hbm, cbt_v)

    def _z(g, carry):
        zeros_v[pl.ds(g * L, L)] = jnp.zeros((L,), jnp.float32)
        return carry
    lax.fori_loop(0, N_EMBED // L, _z, 0)

    @pl.when(s == 0)
    def _init_hist():
        pltpu.sync_copy(zeros_v, shared)

    def _grp(g, carry):
        idx16 = idx_v[pl.ds(g * L, L)]
        ones_v[pl.ds(g * L, L)] = jnp.ones((L,), jnp.float32)
        for ch in range(EMBED_DIM):
            vals = plsc.load_gather(cbt_v, [idx16 + (ch * HW)])
            blk_v[ch, pl.ds(g * L, L)] = vals
        return carry
    lax.fori_loop(0, G, _grp, 0)

    bb = w // 2
    hh = w % 2
    pltpu.sync_copy(blk_v, out_hbm.at[bb, :, pl.ds(hh * TPW, TPW)])

    plsc.subcore_barrier()
    pltpu.sync_copy(ones_v, shared.at[idx_v], add=True)
    plsc.subcore_barrier()

    @pl.when(s == 0)
    def _dump():
        pltpu.sync_copy(shared, counts_hbm.at[c])


def _sc_stage(cbt, idx_flat):
    sck = pl.kernel(
        _sc_body,
        out_type=[
            jax.ShapeDtypeStruct((B, EMBED_DIM, HW), jnp.float32),
            jax.ShapeDtypeStruct((NC, N_EMBED), jnp.float32),
        ],
        mesh=plsc.VectorSubcoreMesh(core_axis_name="c", subcore_axis_name="s"),
        compiler_params=pltpu.CompilerParams(needs_layout_passes=False),
        scratch_types=[
            pltpu.VMEM((TPW,), jnp.int32),
            pltpu.VMEM((EMBED_DIM * HW,), jnp.float32),
            pltpu.VMEM((EMBED_DIM, TPW), jnp.float32),
            pltpu.VMEM((TPW,), jnp.float32),
            pltpu.VMEM((N_EMBED,), jnp.float32),
            pltpu.VMEM_SHARED((N_EMBED,), jnp.float32),
        ],
    )
    return sck(cbt, idx_flat)


def _tc_epi(counts_ref, out_ref):
    counts = counts_ref[0, :] + counts_ref[1, :]
    p = counts / jnp.float32(N_TOK)
    ent = jnp.sum(p * jnp.log(p + 1e-10))
    perp = jnp.exp(-ent)
    lane_s = jax.lax.broadcasted_iota(jnp.int32, (1, 128), 1)
    out_ref[...] = jnp.where(lane_s == 0, perp, 0.0)


def kernel(z, codebook):
    zr = z.reshape(B, EMBED_DIM, HW)

    idx3, cbt, loss_vec = pl.pallas_call(
        _tc_main,
        grid=(B,),
        in_specs=[
            pl.BlockSpec((1, EMBED_DIM, HW), lambda b: (b, 0, 0)),
            pl.BlockSpec((N_EMBED, EMBED_DIM), lambda b: (0, 0)),
        ],
        out_specs=[
            pl.BlockSpec((1, 1, HW), lambda b: (b, 0, 0)),
            pl.BlockSpec((EMBED_DIM, HW), lambda b: (0, 0)),
            pl.BlockSpec((1, 128), lambda b: (0, 0)),
        ],
        out_shape=[
            jax.ShapeDtypeStruct((B, 1, HW), jnp.int32),
            jax.ShapeDtypeStruct((EMBED_DIM, HW), jnp.float32),
            jax.ShapeDtypeStruct((1, 128), jnp.float32),
        ],
        scratch_shapes=[
            pltpu.SMEM((1,), jnp.float32),
            pltpu.VMEM((1, N_EMBED), jnp.float32),
        ],
    )(zr, codebook)

    encoding_indices = idx3.reshape(N_TOK)
    out, counts = _sc_stage(cbt.reshape(EMBED_DIM * HW), encoding_indices)
    perp_vec = pl.pallas_call(
        _tc_epi,
        in_specs=[pl.BlockSpec((NC, N_EMBED), lambda: (0, 0))],
        out_specs=pl.BlockSpec((1, 128), lambda: (0, 0)),
        out_shape=jax.ShapeDtypeStruct((1, 128), jnp.float32),
    )(counts)

    out4 = out.reshape(B, EMBED_DIM, 32, 32)
    loss = loss_vec[0, 0].reshape(())
    perplexity = perp_vec[0, 0].reshape(())
    return (out4, loss, perplexity, encoding_indices)

# --- scband reference (transcript-rebuilt; emitter-appended) ---
"""Pipeline reference for scband-vector-quantizer-69320772158033 (READ-ONLY COPY).

The authoritative reference and input builder live on the scoring server;
editing this copy changes nothing except your own understanding.
"""

import jax, jax.numpy as jnp
import numpy as np

N_EMBED = 1024
EMBED_DIM = 64
BETA = 0.25

def setup_inputs(seed: int = 0) -> dict:
    key = jax.random.key(seed)
    k1, k2 = jax.random.split(key)
    z = jax.random.normal(k1, (16, 64, 32, 32), dtype=jnp.float32)
    codebook = jax.random.uniform(k2, (N_EMBED, EMBED_DIM), dtype=jnp.float32, minval=-1.0 / N_EMBED, maxval=1.0 / N_EMBED)
    return {"z": z, "codebook": codebook}

def reference(z, codebook):
    # permute (B, C, H, W) -> (B, H, W, C)
    zp = jnp.transpose(z, (0, 2, 3, 1))
    zf = zp.reshape(-1, EMBED_DIM)
    distances = (jnp.sum(zf ** 2, axis=1, keepdims=True)
                 + jnp.sum(codebook ** 2, axis=1)
                 - 2.0 * jnp.matmul(zf, codebook.T))
    encoding_indices = jnp.argmin(distances, axis=1)
    n_tok = zf.shape[0]
    encodings = jnp.zeros((n_tok, N_EMBED), dtype=jnp.float32).at[jnp.arange(n_tok), encoding_indices].set(1.0)
    z_q = jnp.matmul(encodings, codebook).reshape(zp.shape)
    commitment_loss = jnp.mean((jax.lax.stop_gradient(z_q) - zp) ** 2)
    embedding_loss = jnp.mean((z_q - jax.lax.stop_gradient(zp)) ** 2)
    loss = embedding_loss + BETA * commitment_loss
    z_q_st = zp + jax.lax.stop_gradient(z_q - zp)
    avg_probs = jnp.mean(encodings, axis=0)
    perplexity = jnp.exp(-jnp.sum(avg_probs * jnp.log(avg_probs + 1e-10)))
    out = jnp.transpose(z_q_st, (0, 3, 1, 2))
    return (out, loss, perplexity, encoding_indices)

if __name__ == "__main__":
    import jax
    _d = setup_inputs()
    print(jax.jit(kernel)(*tuple(_d.values())))

</pallas_src>

<mosaic_0001>
#map = affine_map<(d0, d1) -> (0)>
#map1 = affine_map<(d0, d1) -> (0, 0, 0)>
#map2 = affine_map<(d0, d1) -> (0, 0)>
module attributes {stable_mosaic.version = 14 : i64} {
  func.func @_sc_body(%arg0: i32, %arg1: i32, %arg2: memref<65536xf32, #tpu.memory_space<hbm>>, %arg3: memref<16384xi32, #tpu.memory_space<hbm>>, %arg4: memref<16x64x1024xf32, #tpu.memory_space<hbm>>, %arg5: memref<2x1024xf32, #tpu.memory_space<hbm>>, %arg6: memref<512xi32, #tpu.memory_space<vmem>>, %arg7: memref<65536xf32, #tpu.memory_space<vmem>>, %arg8: memref<64x512xf32, #tpu.memory_space<vmem>>, %arg9: memref<512xf32, #tpu.memory_space<vmem>>, %arg10: memref<1024xf32, #tpu.memory_space<vmem>>, %arg11: memref<1024xf32, #tpu.memory_space<vmem_shared>>) attributes {dimension_semantics = [#tpu.dimension_semantics<core_parallel>, #tpu.dimension_semantics<subcore_parallel>], iteration_bounds = array<i64: 2, 16>, scalar_prefetch = 0 : i64, scratch_operands = 6 : i64, tpu.core_type = #tpu.core_type<sc_vector_subcore>, window_params = [{transform_indices = #map}, {transform_indices = #map}, {transform_indices = #map1}, {transform_indices = #map2}]} {
    %mul3A = arith.constant 2 : i32
    %mul3A_0 = arith.muli %arg1, %mul3A : i32
    %add3A = arith.addi %mul3A_0, %arg0 : i32
    %mul3A_1 = arith.constant 512 : i32
    %mul3A_2 = arith.muli %add3A, %mul3A_1 : i32
    "tpu.region"() ({
      %run_scoped3A = tpu.sem_alloc : memref<!tpu.dma_semaphore, #tpu.memory_space<semaphore_mem>>
      %dma_start3A = tpu.memref_slice %arg3[%mul3A_2] : memref<16384xi32, #tpu.memory_space<hbm>> -> memref<512xi32, #tpu.memory_space<hbm>>
      %dma_start3A_55 = tpu.memref_slice %arg3[%mul3A_2] : memref<16384xi32, #tpu.memory_space<hbm>> -> memref<512xi32, #tpu.memory_space<hbm>>
      tpu.enqueue_dma source(%dma_start3A_55 : memref<512xi32, #tpu.memory_space<hbm>>) target(%arg6 : memref<512xi32, #tpu.memory_space<vmem>>) target_semaphore(%run_scoped3A : memref<!tpu.dma_semaphore, #tpu.memory_space<semaphore_mem>>)
      %dma_wait3A = tpu.memref_slice %arg3[%mul3A_2] : memref<16384xi32, #tpu.memory_space<hbm>> -> memref<512xi32, #tpu.memory_space<hbm>>
      %dma_wait3A_56 = tpu.memref_slice %arg3[%mul3A_2] : memref<16384xi32, #tpu.memory_space<hbm>> -> memref<512xi32, #tpu.memory_space<hbm>>
      tpu.wait_dma2 semaphore(%run_scoped3A : memref<!tpu.dma_semaphore, #tpu.memory_space<semaphore_mem>>) src(%dma_wait3A_56 : memref<512xi32, #tpu.memory_space<hbm>>) dst(%arg6 : memref<512xi32, #tpu.memory_space<vmem>>)
      tpu.yield
    }) : () -> ()
    "tpu.region"() ({
      %run_scoped3A = tpu.sem_alloc : memref<!tpu.dma_semaphore, #tpu.memory_space<semaphore_mem>>
      tpu.enqueue_dma source(%arg2 : memref<65536xf32, #tpu.memory_space<hbm>>) target(%arg7 : memref<65536xf32, #tpu.memory_space<vmem>>) target_semaphore(%run_scoped3A : memref<!tpu.dma_semaphore, #tpu.memory_space<semaphore_mem>>)
      tpu.wait_dma2 semaphore(%run_scoped3A : memref<!tpu.dma_semaphore, #tpu.memory_space<semaphore_mem>>) src(%arg2 : memref<65536xf32, #tpu.memory_space<hbm>>) dst(%arg7 : memref<65536xf32, #tpu.memory_space<vmem>>)
      tpu.yield
    }) : () -> ()
    %scan3A = arith.constant 0 : i32
    %scan3A_3 = arith.constant 0 : i32
    %scan3A_4 = arith.constant 64 : i32
    %scan3A_5 = arith.addi %scan3A_3, %scan3A_4 : i32
    %scan3A_6 = arith.constant 1 : i32
    scf.for %scan3A_55 = %scan3A_3 to %scan3A_5 step %scan3A_6  : i32 {
      %broadcast_in_dim3A = arith.constant 0.000000e+00 : f32
      %broadcast_in_dim3A_56 = vector.broadcast %broadcast_in_dim3A : f32 to vector<16xf32>
      %mul3A_57 = arith.constant 16 : i32
      %mul3A_58 = arith.muli %scan3A_55, %mul3A_57 : i32
      %swap3A = arith.index_cast %mul3A_58 : i32 to index
      %swap3A_59 = tpu.vector_load %arg10[%swap3A] {strides = array<i32>} : memref<1024xf32, #tpu.memory_space<vmem>>, vector<16xf32>,
      tpu.vector_store %arg10[%swap3A], %broadcast_in_dim3A_56 {strides = array<i32>} : memref<1024xf32, #tpu.memory_space<vmem>>, vector<16xf32>,
    }
    %scan3A_7 = arith.constant 64 : i32
    %eq3A = arith.constant 0 : i32
    %eq3A_8 = arith.cmpi eq, %arg1, %eq3A : i32
    %convert_element_type3A = arith.extui %eq3A_8 : i1 to i32
    %cond3A = arith.constant 0 : i32
    %cond3A_9 = arith.cmpi ne, %convert_element_type3A, %cond3A : i32
    scf.if %cond3A_9 {
      "tpu.region"() ({
        %run_scoped3A = tpu.sem_alloc : memref<!tpu.dma_semaphore, #tpu.memory_space<semaphore_mem>>
        tpu.enqueue_dma source(%arg10 : memref<1024xf32, #tpu.memory_space<vmem>>) target(%arg11 : memref<1024xf32, #tpu.memory_space<vmem_shared>>) target_semaphore(%run_scoped3A : memref<!tpu.dma_semaphore, #tpu.memory_space<semaphore_mem>>)
        tpu.wait_dma2 semaphore(%run_scoped3A : memref<!tpu.dma_semaphore, #tpu.memory_space<semaphore_mem>>) src(%arg10 : memref<1024xf32, #tpu.memory_space<vmem>>) dst(%arg11 : memref<1024xf32, #tpu.memory_space<vmem_shared>>)
        tpu.yield
      }) : () -> ()
    } else {
    }
    %scan3A_10 = arith.constant 0 : i32
    %scan3A_11 = arith.constant 0 : i32
    %scan3A_12 = arith.constant 32 : i32
    %scan3A_13 = arith.addi %scan3A_11, %scan3A_12 : i32
    %scan3A_14 = arith.constant 1 : i32
    scf.for %scan3A_55 = %scan3A_11 to %scan3A_13 step %scan3A_14  : i32 {
      %mul3A_56 = arith.constant 16 : i32
      %mul3A_57 = arith.muli %scan3A_55, %mul3A_56 : i32
      %get3A = arith.index_cast %mul3A_57 : i32 to index
      %get3A_58 = tpu.vector_load %arg6[%get3A] {strides = array<i32>} : memref<512xi32, #tpu.memory_space<vmem>>, vector<16xi32>,
      %broadcast_in_dim3A = arith.constant 1.000000e+00 : f32
      %broadcast_in_dim3A_59 = vector.broadcast %broadcast_in_dim3A : f32 to vector<16xf32>
      %mul3A_60 = arith.constant 16 : i32
      %mul3A_61 = arith.muli %scan3A_55, %mul3A_60 : i32
      %swap3A = arith.index_cast %mul3A_61 : i32 to index
      %swap3A_62 = tpu.vector_load %arg9[%swap3A] {strides = array<i32>} : memref<512xf32, #tpu.memory_space<vmem>>, vector<16xf32>,
      tpu.vector_store %arg9[%swap3A], %broadcast_in_dim3A_59 {strides = array<i32>} : memref<512xf32, #tpu.memory_space<vmem>>, vector<16xf32>,
      %add3A_63 = arith.constant 0 : i32
      %add3A_64 = vector.broadcast %add3A_63 : i32 to vector<16xi32>
      %add3A_65 = arith.addi %get3A_58, %add3A_64 : vector<16xi32>
      %gather3A = tpu.vector_load_idx %arg7[%add3A_65] : memref<65536xf32, #tpu.memory_space<vmem>>[vector<16xi32>], vector<16xf32>,
      %mul3A_66 = arith.constant 16 : i32
      %mul3A_67 = arith.muli %scan3A_55, %mul3A_66 : i32
      %swap3A_68 = arith.constant 0 : i32
      %swap3A_69 = arith.index_cast %swap3A_68 : i32 to index
      %swap3A_70 = arith.index_cast %mul3A_67 : i32 to index
      %swap3A_71 = tpu.vector_load %arg8[%swap3A_69, %swap3A_70] {strides = array<i32>} : memref<64x512xf32, #tpu.memory_space<vmem>>, vector<16xf32>,
      tpu.vector_store %arg8[%swap3A_69, %swap3A_70], %gather3A {strides = array<i32>} : memref<64x512xf32, #tpu.memory_space<vmem>>, vector<16xf32>,
      %add3A_72 = arith.constant 1024 : i32
      %add3A_73 = vector.broadcast %add3A_72 : i32 to vector<16xi32>
      %add3A_74 = arith.addi %get3A_58, %add3A_73 : vector<16xi32>
      %gather3A_75 = tpu.vector_load_idx %arg7[%add3A_74] : memref<65536xf32, #tpu.memory_space<vmem>>[vector<16xi32>], vector<16xf32>,
      %mul3A_76 = arith.constant 16 : i32
      %mul3A_77 = arith.muli %scan3A_55, %mul3A_76 : i32
      %swap3A_78 = arith.constant 1 : i32
      %swap3A_79 = arith.index_cast %swap3A_78 : i32 to index
      %swap3A_80 = arith.index_cast %mul3A_77 : i32 to index
      %swap3A_81 = tpu.vector_load %arg8[%swap3A_79, %swap3A_80] {strides = array<i32>} : memref<64x512xf32, #tpu.memory_space<vmem>>, vector<16xf32>,
      tpu.vector_store %arg8[%swap3A_79, %swap3A_80], %gather3A_75 {strides = array<i32>} : memref<64x512xf32, #tpu.memory_space<vmem>>, vector<16xf32>,
      %add3A_82 = arith.constant 2048 : i32
      %add3A_83 = vector.broadcast %add3A_82 : i32 to vector<16xi32>
      %add3A_84 = arith.addi %get3A_58, %add3A_83 : vector<16xi32>
      %gather3A_85 = tpu.vector_load_idx %arg7[%add3A_84] : memref<65536xf32, #tpu.memory_space<vmem>>[vector<16xi32>], vector<16xf32>,
      %mul3A_86 = arith.constant 16 : i32
      %mul3A_87 = arith.muli %scan3A_55, %mul3A_86 : i32
      %swap3A_88 = arith.constant 2 : i32
      %swap3A_89 = arith.index_cast %swap3A_88 : i32 to index
      %swap3A_90 = arith.index_cast %mul3A_87 : i32 to index
      %swap3A_91 = tpu.vector_load %arg8[%swap3A_89, %swap3A_90] {strides = array<i32>} : memref<64x512xf32, #tpu.memory_space<vmem>>, vector<16xf32>,
      tpu.vector_store %arg8[%swap3A_89, %swap3A_90], %gather3A_85 {strides = array<i32>} : memref<64x512xf32, #tpu.memory_space<vmem>>, vector<16xf32>,
      %add3A_92 = arith.constant 3072 : i32
      %add3A_93 = vector.broadcast %add3A_92 : i32 to vector<16xi32>
      %add3A_94 = arith.addi %get3A_58, %add3A_93 : vector<16xi32>
      %gather3A_95 = tpu.vector_load_idx %arg7[%add3A_94] : memref<65536xf32, #tpu.memory_space<vmem>>[vector<16xi32>], vector<16xf32>,
      %mul3A_96 = arith.constant 16 : i32
      %mul3A_97 = arith.muli %scan3A_55, %mul3A_96 : i32
      %swap3A_98 = arith.constant 3 : i32
      %swap3A_99 = arith.index_cast %swap3A_98 : i32 to index
      %swap3A_100 = arith.index_cast %mul3A_97 : i32 to index
      %swap3A_101 = tpu.vector_load %arg8[%swap3A_99, %swap3A_100] {strides = array<i32>} : memref<64x512xf32, #tpu.memory_space<vmem>>, vector<16xf32>,
      tpu.vector_store %arg8[%swap3A_99, %swap3A_100], %gather3A_95 {strides = array<i32>} : memref<64x512xf32, #tpu.memory_space<vmem>>, vector<16xf32>,
      %add3A_102 = arith.constant 4096 : i32
      %add3A_103 = vector.broadcast %add3A_102 : i32 to vector<16xi32>
      %add3A_104 = arith.addi %get3A_58, %add3A_103 : vector<16xi32>
      %gather3A_105 = tpu.vector_load_idx %arg7[%add3A_104] : memref<65536xf32, #tpu.memory_space<vmem>>[vector<16xi32>], vector<16xf32>,
      %mul3A_106 = arith.constant 16 : i32
      %mul3A_107 = arith.muli %scan3A_55, %mul3A_106 : i32
      %swap3A_108 = arith.constant 4 : i32
      %swap3A_109 = arith.index_cast %swap3A_108 : i32 to index
      %swap3A_110 = arith.index_cast %mul3A_107 : i32 to index
      %swap3A_111 = tpu.vector_load %arg8[%swap3A_109, %swap3A_110] {strides = array<i32>} : memref<64x512xf32, #tpu.memory_space<vmem>>, vector<16xf32>,
      tpu.vector_store %arg8[%swap3A_109, %swap3A_110], %gather3A_105 {strides = array<i32>} : memref<64x512xf32, #tpu.memory_space<vmem>>, vector<16xf32>,
      %add3A_112 = arith.constant 5120 : i32
      %add3A_113 = vector.broadcast %add3A_112 : i32 to vector<16xi32>
      %add3A_114 = arith.addi %get3A_58, %add3A_113 : vector<16xi32>
      %gather3A_115 = tpu.vector_load_idx %arg7[%add3A_114] : memref<65536xf32, #tpu.memory_space<vmem>>[vector<16xi32>], vector<16xf32>,
      %mul3A_116 = arith.constant 16 : i32
      %mul3A_117 = arith.muli %scan3A_55, %mul3A_116 : i32
      %swap3A_118 = arith.constant 5 : i32
      %swap3A_119 = arith.index_cast %swap3A_118 : i32 to index
      %swap3A_120 = arith.index_cast %mul3A_117 : i32 to index
      %swap3A_121 = tpu.vector_load %arg8[%swap3A_119, %swap3A_120] {strides = array<i32>} : memref<64x512xf32, #tpu.memory_space<vmem>>, vector<16xf32>,
      tpu.vector_store %arg8[%swap3A_119, %swap3A_120], %gather3A_115 {strides = array<i32>} : memref<64x512xf32, #tpu.memory_space<vmem>>, vector<16xf32>,
      %add3A_122 = arith.constant 6144 : i32
      %add3A_123 = vector.broadcast %add3A_122 : i32 to vector<16xi32>
      %add3A_124 = arith.addi %get3A_58, %add3A_123 : vector<16xi32>
      %gather3A_125 = tpu.vector_load_idx %arg7[%add3A_124] : memref<65536xf32, #tpu.memory_space<vmem>>[vector<16xi32>], vector<16xf32>,
      %mul3A_126 = arith.constant 16 : i32
      %mul3A_127 = arith.muli %scan3A_55, %mul3A_126 : i32
      %swap3A_128 = arith.constant 6 : i32
      %swap3A_129 = arith.index_cast %swap3A_128 : i32 to index
      %swap3A_130 = arith.index_cast %mul3A_127 : i32 to index
      %swap3A_131 = tpu.vector_load %arg8[%swap3A_129, %swap3A_130] {strides = array<i32>} : memref<64x512xf32, #tpu.memory_space<vmem>>, vector<16xf32>,
      tpu.vector_store %arg8[%swap3A_129, %swap3A_130], %gather3A_125 {strides = array<i32>} : memref<64x512xf32, #tpu.memory_space<vmem>>, vector<16xf32>,
      %add3A_132 = arith.constant 7168 : i32
      %add3A_133 = vector.broadcast %add3A_132 : i32 to vector<16xi32>
      %add3A_134 = arith.addi %get3A_58, %add3A_133 : vector<16xi32>
      %gather3A_135 = tpu.vector_load_idx %arg7[%add3A_134] : memref<65536xf32, #tpu.memory_space<vmem>>[vector<16xi32>], vector<16xf32>,
      %mul3A_136 = arith.constant 16 : i32
      %mul3A_137 = arith.muli %scan3A_55, %mul3A_136 : i32
      %swap3A_138 = arith.constant 7 : i32
      %swap3A_139 = arith.index_cast %swap3A_138 : i32 to index
      %swap3A_140 = arith.index_cast %mul3A_137 : i32 to index
      %swap3A_141 = tpu.vector_load %arg8[%swap3A_139, %swap3A_140] {strides = array<i32>} : memref<64x512xf32, #tpu.memory_space<vmem>>, vector<16xf32>,
      tpu.vector_store %arg8[%swap3A_139, %swap3A_140], %gather3A_135 {strides = array<i32>} : memref<64x512xf32, #tpu.memory_space<vmem>>, vector<16xf32>,
      %add3A_142 = arith.constant 8192 : i32
      %add3A_143 = vector.broadcast %add3A_142 : i32 to vector<16xi32>
      %add3A_144 = arith.addi %get3A_58, %add3A_143 : vector<16xi32>
      %gather3A_145 = tpu.vector_load_idx %arg7[%add3A_144] : memref<65536xf32, #tpu.memory_space<vmem>>[vector<16xi32>], vector<16xf32>,
      %mul3A_146 = arith.constant 16 : i32
      %mul3A_147 = arith.muli %scan3A_55, %mul3A_146 : i32
      %swap3A_148 = arith.constant 8 : i32
      %swap3A_149 = arith.index_cast %swap3A_148 : i32 to index
      %swap3A_150 = arith.index_cast %mul3A_147 : i32 to index
      %swap3A_151 = tpu.vector_load %arg8[%swap3A_149, %swap3A_150] {strides = array<i32>} : memref<64x512xf32, #tpu.memory_space<vmem>>, vector<16xf32>,
      tpu.vector_store %arg8[%swap3A_149, %swap3A_150], %gather3A_145 {strides = array<i32>} : memref<64x512xf32, #tpu.memory_space<vmem>>, vector<16xf32>,
      %add3A_152 = arith.constant 9216 : i32
      %add3A_153 = vector.broadcast %add3A_152 : i32 to vector<16xi32>
      %add3A_154 = arith.addi %get3A_58, %add3A_153 : vector<16xi32>
      %gather3A_155 = tpu.vector_load_idx %arg7[%add3A_154] : memref<65536xf32, #tpu.memory_space<vmem>>[vector<16xi32>], vector<16xf32>,
      %mul3A_156 = arith.constant 16 : i32
      %mul3A_157 = arith.muli %scan3A_55, %mul3A_156 : i32
      %swap3A_158 = arith.constant 9 : i32
      %swap3A_159 = arith.index_cast %swap3A_158 : i32 to index
      %swap3A_160 = arith.index_cast %mul3A_157 : i32 to index
      %swap3A_161 = tpu.vector_load %arg8[%swap3A_159, %swap3A_160] {strides = array<i32>} : memref<64x512xf32, #tpu.memory_space<vmem>>, vector<16xf32>,
      tpu.vector_store %arg8[%swap3A_159, %swap3A_160], %gather3A_155 {strides = array<i32>} : memref<64x512xf32, #tpu.memory_space<vmem>>, vector<16xf32>,
      %add3A_162 = arith.constant 10240 : i32
      %add3A_163 = vector.broadcast %add3A_162 : i32 to vector<16xi32>
      %add3A_164 = arith.addi %get3A_58, %add3A_163 : vector<16xi32>
      %gather3A_165 = tpu.vector_load_idx %arg7[%add3A_164] : memref<65536xf32, #tpu.memory_space<vmem>>[vector<16xi32>], vector<16xf32>,
      %mul3A_166 = arith.constant 16 : i32
      %mul3A_167 = arith.muli %scan3A_55, %mul3A_166 : i32
      %swap3A_168 = arith.constant 10 : i32
      %swap3A_169 = arith.index_cast %swap3A_168 : i32 to index
      %swap3A_170 = arith.index_cast %mul3A_167 : i32 to index
      %swap3A_171 = tpu.vector_load %arg8[%swap3A_169, %swap3A_170] {strides = array<i32>} : memref<64x512xf32, #tpu.memory_space<vmem>>, vector<16xf32>,
      tpu.vector_store %arg8[%swap3A_169, %swap3A_170], %gather3A_165 {strides = array<i32>} : memref<64x512xf32, #tpu.memory_space<vmem>>, vector<16xf32>,
      %add3A_172 = arith.constant 11264 : i32
      %add3A_173 = vector.broadcast %add3A_172 : i32 to vector<16xi32>
      %add3A_174 = arith.addi %get3A_58, %add3A_173 : vector<16xi32>
      %gather3A_175 = tpu.vector_load_idx %arg7[%add3A_174] : memref<65536xf32, #tpu.memory_space<vmem>>[vector<16xi32>], vector<16xf32>,
      %mul3A_176 = arith.constant 16 : i32
      %mul3A_177 = arith.muli %scan3A_55, %mul3A_176 : i32
      %swap3A_178 = arith.constant 11 : i32
      %swap3A_179 = arith.index_cast %swap3A_178 : i32 to index
      %swap3A_180 = arith.index_cast %mul3A_177 : i32 to index
      %swap3A_181 = tpu.vector_load %arg8[%swap3A_179, %swap3A_180] {strides = array<i32>} : memref<64x512xf32, #tpu.memory_space<vmem>>, vector<16xf32>,
      tpu.vector_store %arg8[%swap3A_179, %swap3A_180], %gather3A_175 {strides = array<i32>} : memref<64x512xf32, #tpu.memory_space<vmem>>, vector<16xf32>,
      %add3A_182 = arith.constant 12288 : i32
      %add3A_183 = vector.broadcast %add3A_182 : i32 to vector<16xi32>
      %add3A_184 = arith.addi %get3A_58, %add3A_183 : vector<16xi32>
      %gather3A_185 = tpu.vector_load_idx %arg7[%add3A_184] : memref<65536xf32, #tpu.memory_space<vmem>>[vector<16xi32>], vector<16xf32>,
      %mul3A_186 = arith.constant 16 : i32
      %mul3A_187 = arith.muli %scan3A_55, %mul3A_186 : i32
      %swap3A_188 = arith.constant 12 : i32
      %swap3A_189 = arith.index_cast %swap3A_188 : i32 to index
      %swap3A_190 = arith.index_cast %mul3A_187 : i32 to index
      %swap3A_191 = tpu.vector_load %arg8[%swap3A_189, %swap3A_190] {strides = array<i32>} : memref<64x512xf32, #tpu.memory_space<vmem>>, vector<16xf32>,
      tpu.vector_store %arg8[%swap3A_189, %swap3A_190], %gather3A_185 {strides = array<i32>} : memref<64x512xf32, #tpu.memory_space<vmem>>, vector<16xf32>,
      %add3A_192 = arith.constant 13312 : i32
      %add3A_193 = vector.broadcast %add3A_192 : i32 to vector<16xi32>
      %add3A_194 = arith.addi %get3A_58, %add3A_193 : vector<16xi32>
      %gather3A_195 = tpu.vector_load_idx %arg7[%add3A_194] : memref<65536xf32, #tpu.memory_space<vmem>>[vector<16xi32>], vector<16xf32>,
      %mul3A_196 = arith.constant 16 : i32
      %mul3A_197 = arith.muli %scan3A_55, %mul3A_196 : i32
      %swap3A_198 = arith.constant 13 : i32
      %swap3A_199 = arith.index_cast %swap3A_198 : i32 to index
      %swap3A_200 = arith.index_cast %mul3A_197 : i32 to index
      %swap3A_201 = tpu.vector_load %arg8[%swap3A_199, %swap3A_200] {strides = array<i32>} : memref<64x512xf32, #tpu.memory_space<vmem>>, vector<16xf32>,
      tpu.vector_store %arg8[%swap3A_199, %swap3A_200], %gather3A_195 {strides = array<i32>} : memref<64x512xf32, #tpu.memory_space<vmem>>, vector<16xf32>,
      %add3A_202 = arith.constant 14336 : i32
      %add3A_203 = vector.broadcast %add3A_202 : i32 to vector<16xi32>
      %add3A_204 = arith.addi %get3A_58, %add3A_203 : vector<16xi32>
      %gather3A_205 = tpu.vector_load_idx %arg7[%add3A_204] : memref<65536xf32, #tpu.memory_space<vmem>>[vector<16xi32>], vector<16xf32>,
      %mul3A_206 = arith.constant 16 : i32
      %mul3A_207 = arith.muli %scan3A_55, %mul3A_206 : i32
      %swap3A_208 = arith.constant 14 : i32
      %swap3A_209 = arith.index_cast %swap3A_208 : i32 to index
      %swap3A_210 = arith.index_cast %mul3A_207 : i32 to index
      %swap3A_211 = tpu.vector_load %arg8[%swap3A_209, %swap3A_210] {strides = array<i32>} : memref<64x512xf32, #tpu.memory_space<vmem>>, vector<16xf32>,
      tpu.vector_store %arg8[%swap3A_209, %swap3A_210], %gather3A_205 {strides = array<i32>} : memref<64x512xf32, #tpu.memory_space<vmem>>, vector<16xf32>,
      %add3A_212 = arith.constant 15360 : i32
      %add3A_213 = vector.broadcast %add3A_212 : i32 to vector<16xi32>
      %add3A_214 = arith.addi %get3A_58, %add3A_213 : vector<16xi32>
      %gather3A_215 = tpu.vector_load_idx %arg7[%add3A_214] : memref<65536xf32, #tpu.memory_space<vmem>>[vector<16xi32>], vector<16xf32>,
      %mul3A_216 = arith.constant 16 : i32
      %mul3A_217 = arith.muli %scan3A_55, %mul3A_216 : i32
      %swap3A_218 = arith.constant 15 : i32
      %swap3A_219 = arith.index_cast %swap3A_218 : i32 to index
      %swap3A_220 = arith.index_cast %mul3A_217 : i32 to index
      %swap3A_221 = tpu.vector_load %arg8[%swap3A_219, %swap3A_220] {strides = array<i32>} : memref<64x512xf32, #tpu.memory_space<vmem>>, vector<16xf32>,
      tpu.vector_store %arg8[%swap3A_219, %swap3A_220], %gather3A_215 {strides = array<i32>} : memref<64x512xf32, #tpu.memory_space<vmem>>, vector<16xf32>,
      %add3A_222 = arith.constant 16384 : i32
      %add3A_223 = vector.broadcast %add3A_222 : i32 to vector<16xi32>
      %add3A_224 = arith.addi %get3A_58, %add3A_223 : vector<16xi32>
      %gather3A_225 = tpu.vector_load_idx %arg7[%add3A_224] : memref<65536xf32, #tpu.memory_space<vmem>>[vector<16xi32>], vector<16xf32>,
      %mul3A_226 = arith.constant 16 : i32
      %mul3A_227 = arith.muli %scan3A_55, %mul3A_226 : i32
      %swap3A_228 = arith.constant 16 : i32
      %swap3A_229 = arith.index_cast %swap3A_228 : i32 to index
      %swap3A_230 = arith.index_cast %mul3A_227 : i32 to index
      %swap3A_231 = tpu.vector_load %arg8[%swap3A_229, %swap3A_230] {strides = array<i32>} : memref<64x512xf32, #tpu.memory_space<vmem>>, vector<16xf32>,
      tpu.vector_store %arg8[%swap3A_229, %swap3A_230], %gather3A_225 {strides = array<i32>} : memref<64x512xf32, #tpu.memory_space<vmem>>, vector<16xf32>,
      %add3A_232 = arith.constant 17408 : i32
      %add3A_233 = vector.broadcast %add3A_232 : i32 to vector<16xi32>
      %add3A_234 = arith.addi %get3A_58, %add3A_233 : vector<16xi32>
      %gather3A_235 = tpu.vector_load_idx %arg7[%add3A_234] : memref<65536xf32, #tpu.memory_space<vmem>>[vector<16xi32>], vector<16xf32>,
      %mul3A_236 = arith.constant 16 : i32
      %mul3A_237 = arith.muli %scan3A_55, %mul3A_236 : i32
      %swap3A_238 = arith.constant 17 : i32
      %swap3A_239 = arith.index_cast %swap3A_238 : i32 to index
      %swap3A_240 = arith.index_cast %mul3A_237 : i32 to index
      %swap3A_241 = tpu.vector_load %arg8[%swap3A_239, %swap3A_240] {strides = array<i32>} : memref<64x512xf32, #tpu.memory_space<vmem>>, vector<16xf32>,
      tpu.vector_store %arg8[%swap3A_239, %swap3A_240], %gather3A_235 {strides = array<i32>} : memref<64x512xf32, #tpu.memory_space<vmem>>, vector<16xf32>,
      %add3A_242 = arith.constant 18432 : i32
      %add3A_243 = vector.broadcast %add3A_242 : i32 to vector<16xi32>
      %add3A_244 = arith.addi %get3A_58, %add3A_243 : vector<16xi32>
      %gather3A_245 = tpu.vector_load_idx %arg7[%add3A_244] : memref<65536xf32, #tpu.memory_space<vmem>>[vector<16xi32>], vector<16xf32>,
      %mul3A_246 = arith.constant 16 : i32
      %mul3A_247 = arith.muli %scan3A_55, %mul3A_246 : i32
      %swap3A_248 = arith.constant 18 : i32
      %swap3A_249 = arith.index_cast %swap3A_248 : i32 to index
      %swap3A_250 = arith.index_cast %mul3A_247 : i32 to index
      %swap3A_251 = tpu.vector_load %arg8[%swap3A_249, %swap3A_250] {strides = array<i32>} : memref<64x512xf32, #tpu.memory_space<vmem>>, vector<16xf32>,
      tpu.vector_store %arg8[%swap3A_249, %swap3A_250], %gather3A_245 {strides = array<i32>} : memref<64x512xf32, #tpu.memory_space<vmem>>, vector<16xf32>,
      %add3A_252 = arith.constant 19456 : i32
      %add3A_253 = vector.broadcast %add3A_252 : i32 to vector<16xi32>
      %add3A_254 = arith.addi %get3A_58, %add3A_253 : vector<16xi32>
      %gather3A_255 = tpu.vector_load_idx %arg7[%add3A_254] : memref<65536xf32, #tpu.memory_space<vmem>>[vector<16xi32>], vector<16xf32>,
      %mul3A_256 = arith.constant 16 : i32
      %mul3A_257 = arith.muli %scan3A_55, %mul3A_256 : i32
      %swap3A_258 = arith.constant 19 : i32
      %swap3A_259 = arith.index_cast %swap3A_258 : i32 to index
      %swap3A_260 = arith.index_cast %mul3A_257 : i32 to index
      %swap3A_261 = tpu.vector_load %arg8[%swap3A_259, %swap3A_260] {strides = array<i32>} : memref<64x512xf32, #tpu.memory_space<vmem>>, vector<16xf32>,
      tpu.vector_store %arg8[%swap3A_259, %swap3A_260], %gather3A_255 {strides = array<i32>} : memref<64x512xf32, #tpu.memory_space<vmem>>, vector<16xf32>,
      %add3A_262 = arith.constant 20480 : i32
      %add3A_263 = vector.broadcast %add3A_262 : i32 to vector<16xi32>
      %add3A_264 = arith.addi %get3A_58, %add3A_263 : vector<16xi32>
      %gather3A_265 = tpu.vector_load_idx %arg7[%add3A_264] : memref<65536xf32, #tpu.memory_space<vmem>>[vector<16xi32>], vector<16xf32>,
      %mul3A_266 = arith.constant 16 : i32
      %mul3A_267 = arith.muli %scan3A_55, %mul3A_266 : i32
      %swap3A_268 = arith.constant 20 : i32
      %swap3A_269 = arith.index_cast %swap3A_268 : i32 to index
      %swap3A_270 = arith.index_cast %mul3A_267 : i32 to index
      %swap3A_271 = tpu.vector_load %arg8[%swap3A_269, %swap3A_270] {strides = array<i32>} : memref<64x512xf32, #tpu.memory_space<vmem>>, vector<16xf32>,
      tpu.vector_store %arg8[%swap3A_269, %swap3A_270], %gather3A_265 {strides = array<i32>} : memref<64x512xf32, #tpu.memory_space<vmem>>, vector<16xf32>,
      %add3A_272 = arith.constant 21504 : i32
      %add3A_273 = vector.broadcast %add3A_272 : i32 to vector<16xi32>
      %add3A_274 = arith.addi %get3A_58, %add3A_273 : vector<16xi32>
      %gather3A_275 = tpu.vector_load_idx %arg7[%add3A_274] : memref<65536xf32, #tpu.memory_space<vmem>>[vector<16xi32>], vector<16xf32>,
      %mul3A_276 = arith.constant 16 : i32
      %mul3A_277 = arith.muli %scan3A_55, %mul3A_276 : i32
      %swap3A_278 = arith.constant 21 : i32
      %swap3A_279 = arith.index_cast %swap3A_278 : i32 to index
      %swap3A_280 = arith.index_cast %mul3A_277 : i32 to index
      %swap3A_281 = tpu.vector_load %arg8[%swap3A_279, %swap3A_280] {strides = array<i32>} : memref<64x512xf32, #tpu.memory_space<vmem>>, vector<16xf32>,
      tpu.vector_store %arg8[%swap3A_279, %swap3A_280], %gather3A_275 {strides = array<i32>} : memref<64x512xf32, #tpu.memory_space<vmem>>, vector<16xf32>,
      %add3A_282 = arith.constant 22528 : i32
      %add3A_283 = vector.broadcast %add3A_282 : i32 to vector<16xi32>
      %add3A_284 = arith.addi %get3A_58, %add3A_283 : vector<16xi32>
      %gather3A_285 = tpu.vector_load_idx %arg7[%add3A_284] : memref<65536xf32, #tpu.memory_space<vmem>>[vector<16xi32>], vector<16xf32>,
      %mul3A_286 = arith.constant 16 : i32
      %mul3A_287 = arith.muli %scan3A_55, %mul3A_286 : i32
      %swap3A_288 = arith.constant 22 : i32
      %swap3A_289 = arith.index_cast %swap3A_288 : i32 to index
      %swap3A_290 = arith.index_cast %mul3A_287 : i32 to index
      %swap3A_291 = tpu.vector_load %arg8[%swap3A_289, %swap3A_290] {strides = array<i32>} : memref<64x512xf32, #tpu.memory_space<vmem>>, vector<16xf32>,
      tpu.vector_store %arg8[%swap3A_289, %swap3A_290], %gather3A_285 {strides = array<i32>} : memref<64x512xf32, #tpu.memory_space<vmem>>, vector<16xf32>,
      %add3A_292 = arith.constant 23552 : i32
      %add3A_293 = vector.broadcast %add3A_292 : i32 to vector<16xi32>
      %add3A_294 = arith.addi %get3A_58, %add3A_293 : vector<16xi32>
      %gather3A_295 = tpu.vector_load_idx %arg7[%add3A_294] : memref<65536xf32, #tpu.memory_space<vmem>>[vector<16xi32>], vector<16xf32>,
      %mul3A_296 = arith.constant 16 : i32
      %mul3A_297 = arith.muli %scan3A_55, %mul3A_296 : i32
      %swap3A_298 = arith.constant 23 : i32
      %swap3A_299 = arith.index_cast %swap3A_298 : i32 to index
      %swap3A_300 = arith.index_cast %mul3A_297 : i32 to index
      %swap3A_301 = tpu.vector_load %arg8[%swap3A_299, %swap3A_300] {strides = array<i32>} : memref<64x512xf32, #tpu.memory_space<vmem>>, vector<16xf32>,
      tpu.vector_store %arg8[%swap3A_299, %swap3A_300], %gather3A_295 {strides = array<i32>} : memref<64x512xf32, #tpu.memory_space<vmem>>, vector<16xf32>,
      %add3A_302 = arith.constant 24576 : i32
      %add3A_303 = vector.broadcast %add3A_302 : i32 to vector<16xi32>
      %add3A_304 = arith.addi %get3A_58, %add3A_303 : vector<16xi32>
      %gather3A_305 = tpu.vector_load_idx %arg7[%add3A_304] : memref<65536xf32, #tpu.memory_space<vmem>>[vector<16xi32>], vector<16xf32>,
      %mul3A_306 = arith.constant 16 : i32
      %mul3A_307 = arith.muli %scan3A_55, %mul3A_306 : i32
      %swap3A_308 = arith.constant 24 : i32
      %swap3A_309 = arith.index_cast %swap3A_308 : i32 to index
      %swap3A_310 = arith.index_cast %mul3A_307 : i32 to index
      %swap3A_311 = tpu.vector_load %arg8[%swap3A_309, %swap3A_310] {strides = array<i32>} : memref<64x512xf32, #tpu.memory_space<vmem>>, vector<16xf32>,
      tpu.vector_store %arg8[%swap3A_309, %swap3A_310], %gather3A_305 {strides = array<i32>} : memref<64x512xf32, #tpu.memory_space<vmem>>, vector<16xf32>,
      %add3A_312 = arith.constant 25600 : i32
      %add3A_313 = vector.broadcast %add3A_312 : i32 to vector<16xi32>
      %add3A_314 = arith.addi %get3A_58, %add3A_313 : vector<16xi32>
      %gather3A_315 = tpu.vector_load_idx %arg7[%add3A_314] : memref<65536xf32, #tpu.memory_space<vmem>>[vector<16xi32>], vector<16xf32>,
      %mul3A_316 = arith.constant 16 : i32
      %mul3A_317 = arith.muli %scan3A_55, %mul3A_316 : i32
      %swap3A_318 = arith.constant 25 : i32
      %swap3A_319 = arith.index_cast %swap3A_318 : i32 to index
      %swap3A_320 = arith.index_cast %mul3A_317 : i32 to index
      %swap3A_321 = tpu.vector_load %arg8[%swap3A_319, %swap3A_320] {strides = array<i32>} : memref<64x512xf32, #tpu.memory_space<vmem>>, vector<16xf32>,
      tpu.vector_store %arg8[%swap3A_319, %swap3A_320], %gather3A_315 {strides = array<i32>} : memref<64x512xf32, #tpu.memory_space<vmem>>, vector<16xf32>,
      %add3A_322 = arith.constant 26624 : i32
      %add3A_323 = vector.broadcast %add3A_322 : i32 to vector<16xi32>
      %add3A_324 = arith.addi %get3A_58, %add3A_323 : vector<16xi32>
      %gather3A_325 = tpu.vector_load_idx %arg7[%add3A_324] : memref<65536xf32, #tpu.memory_space<vmem>>[vector<16xi32>], vector<16xf32>,
      %mul3A_326 = arith.constant 16 : i32
      %mul3A_327 = arith.muli %scan3A_55, %mul3A_326 : i32
      %swap3A_328 = arith.constant 26 : i32
      %swap3A_329 = arith.index_cast %swap3A_328 : i32 to index
      %swap3A_330 = arith.index_cast %mul3A_327 : i32 to index
      %swap3A_331 = tpu.vector_load %arg8[%swap3A_329, %swap3A_330] {strides = array<i32>} : memref<64x512xf32, #tpu.memory_space<vmem>>, vector<16xf32>,
      tpu.vector_store %arg8[%swap3A_329, %swap3A_330], %gather3A_325 {strides = array<i32>} : memref<64x512xf32, #tpu.memory_space<vmem>>, vector<16xf32>,
      %add3A_332 = arith.constant 27648 : i32
      %add3A_333 = vector.broadcast %add3A_332 : i32 to vector<16xi32>
      %add3A_334 = arith.addi %get3A_58, %add3A_333 : vector<16xi32>
      %gather3A_335 = tpu.vector_load_idx %arg7[%add3A_334] : memref<65536xf32, #tpu.memory_space<vmem>>[vector<16xi32>], vector<16xf32>,
      %mul3A_336 = arith.constant 16 : i32
      %mul3A_337 = arith.muli %scan3A_55, %mul3A_336 : i32
      %swap3A_338 = arith.constant 27 : i32
      %swap3A_339 = arith.index_cast %swap3A_338 : i32 to index
      %swap3A_340 = arith.index_cast %mul3A_337 : i32 to index
      %swap3A_341 = tpu.vector_load %arg8[%swap3A_339, %swap3A_340] {strides = array<i32>} : memref<64x512xf32, #tpu.memory_space<vmem>>, vector<16xf32>,
      tpu.vector_store %arg8[%swap3A_339, %swap3A_340], %gather3A_335 {strides = array<i32>} : memref<64x512xf32, #tpu.memory_space<vmem>>, vector<16xf32>,
      %add3A_342 = arith.constant 28672 : i32
      %add3A_343 = vector.broadcast %add3A_342 : i32 to vector<16xi32>
      %add3A_344 = arith.addi %get3A_58, %add3A_343 : vector<16xi32>
      %gather3A_345 = tpu.vector_load_idx %arg7[%add3A_344] : memref<65536xf32, #tpu.memory_space<vmem>>[vector<16xi32>], vector<16xf32>,
      %mul3A_346 = arith.constant 16 : i32
      %mul3A_347 = arith.muli %scan3A_55, %mul3A_346 : i32
      %swap3A_348 = arith.constant 28 : i32
      %swap3A_349 = arith.index_cast %swap3A_348 : i32 to index
      %swap3A_350 = arith.index_cast %mul3A_347 : i32 to index
      %swap3A_351 = tpu.vector_load %arg8[%swap3A_349, %swap3A_350] {strides = array<i32>} : memref<64x512xf32, #tpu.memory_space<vmem>>, vector<16xf32>,
      tpu.vector_store %arg8[%swap3A_349, %swap3A_350], %gather3A_345 {strides = array<i32>} : memref<64x512xf32, #tpu.memory_space<vmem>>, vector<16xf32>,
      %add3A_352 = arith.constant 29696 : i32
      %add3A_353 = vector.broadcast %add3A_352 : i32 to vector<16xi32>
      %add3A_354 = arith.addi %get3A_58, %add3A_353 : vector<16xi32>
      %gather3A_355 = tpu.vector_load_idx %arg7[%add3A_354] : memref<65536xf32, #tpu.memory_space<vmem>>[vector<16xi32>], vector<16xf32>,
      %mul3A_356 = arith.constant 16 : i32
      %mul3A_357 = arith.muli %scan3A_55, %mul3A_356 : i32
      %swap3A_358 = arith.constant 29 : i32
      %swap3A_359 = arith.index_cast %swap3A_358 : i32 to index
      %swap3A_360 = arith.index_cast %mul3A_357 : i32 to index
      %swap3A_361 = tpu.vector_load %arg8[%swap3A_359, %swap3A_360] {strides = array<i32>} : memref<64x512xf32, #tpu.memory_space<vmem>>, vector<16xf32>,
      tpu.vector_store %arg8[%swap3A_359, %swap3A_360], %gather3A_355 {strides = array<i32>} : memref<64x512xf32, #tpu.memory_space<vmem>>, vector<16xf32>,
      %add3A_362 = arith.constant 30720 : i32
      %add3A_363 = vector.broadcast %add3A_362 : i32 to vector<16xi32>
      %add3A_364 = arith.addi %get3A_58, %add3A_363 : vector<16xi32>
      %gather3A_365 = tpu.vector_load_idx %arg7[%add3A_364] : memref<65536xf32, #tpu.memory_space<vmem>>[vector<16xi32>], vector<16xf32>,
      %mul3A_366 = arith.constant 16 : i32
      %mul3A_367 = arith.muli %scan3A_55, %mul3A_366 : i32
      %swap3A_368 = arith.constant 30 : i32
      %swap3A_369 = arith.index_cast %swap3A_368 : i32 to index
      %swap3A_370 = arith.index_cast %mul3A_367 : i32 to index
      %swap3A_371 = tpu.vector_load %arg8[%swap3A_369, %swap3A_370] {strides = array<i32>} : memref<64x512xf32, #tpu.memory_space<vmem>>, vector<16xf32>,
      tpu.vector_store %arg8[%swap3A_369, %swap3A_370], %gather3A_365 {strides = array<i32>} : memref<64x512xf32, #tpu.memory_space<vmem>>, vector<16xf32>,
      %add3A_372 = arith.constant 31744 : i32
      %add3A_373 = vector.broadcast %add3A_372 : i32 to vector<16xi32>
      %add3A_374 = arith.addi %get3A_58, %add3A_373 : vector<16xi32>
      %gather3A_375 = tpu.vector_load_idx %arg7[%add3A_374] : memref<65536xf32, #tpu.memory_space<vmem>>[vector<16xi32>], vector<16xf32>,
      %mul3A_376 = arith.constant 16 : i32
      %mul3A_377 = arith.muli %scan3A_55, %mul3A_376 : i32
      %swap3A_378 = arith.constant 31 : i32
      %swap3A_379 = arith.index_cast %swap3A_378 : i32 to index
      %swap3A_380 = arith.index_cast %mul3A_377 : i32 to index
      %swap3A_381 = tpu.vector_load %arg8[%swap3A_379, %swap3A_380] {strides = array<i32>} : memref<64x512xf32, #tpu.memory_space<vmem>>, vector<16xf32>,
      tpu.vector_store %arg8[%swap3A_379, %swap3A_380], %gather3A_375 {strides = array<i32>} : memref<64x512xf32, #tpu.memory_space<vmem>>, vector<16xf32>,
      %add3A_382 = arith.constant 32768 : i32
      %add3A_383 = vector.broadcast %add3A_382 : i32 to vector<16xi32>
      %add3A_384 = arith.addi %get3A_58, %add3A_383 : vector<16xi32>
      %gather3A_385 = tpu.vector_load_idx %arg7[%add3A_384] : memref<65536xf32, #tpu.memory_space<vmem>>[vector<16xi32>], vector<16xf32>,
      %mul3A_386 = arith.constant 16 : i32
      %mul3A_387 = arith.muli %scan3A_55, %mul3A_386 : i32
      %swap3A_388 = arith.constant 32 : i32
      %swap3A_389 = arith.index_cast %swap3A_388 : i32 to index
      %swap3A_390 = arith.index_cast %mul3A_387 : i32 to index
      %swap3A_391 = tpu.vector_load %arg8[%swap3A_389, %swap3A_390] {strides = array<i32>} : memref<64x512xf32, #tpu.memory_space<vmem>>, vector<16xf32>,
      tpu.vector_store %arg8[%swap3A_389, %swap3A_390], %gather3A_385 {strides = array<i32>} : memref<64x512xf32, #tpu.memory_space<vmem>>, vector<16xf32>,
      %add3A_392 = arith.constant 33792 : i32
      %add3A_393 = vector.broadcast %add3A_392 : i32 to vector<16xi32>
      %add3A_394 = arith.addi %get3A_58, %add3A_393 : vector<16xi32>
      %gather3A_395 = tpu.vector_load_idx %arg7[%add3A_394] : memref<65536xf32, #tpu.memory_space<vmem>>[vector<16xi32>], vector<16xf32>,
      %mul3A_396 = arith.constant 16 : i32
      %mul3A_397 = arith.muli %scan3A_55, %mul3A_396 : i32
      %swap3A_398 = arith.constant 33 : i32
      %swap3A_399 = arith.index_cast %swap3A_398 : i32 to index
      %swap3A_400 = arith.index_cast %mul3A_397 : i32 to index
      %swap3A_401 = tpu.vector_load %arg8[%swap3A_399, %swap3A_400] {strides = array<i32>} : memref<64x512xf32, #tpu.memory_space<vmem>>, vector<16xf32>,
      tpu.vector_store %arg8[%swap3A_399, %swap3A_400], %gather3A_395 {strides = array<i32>} : memref<64x512xf32, #tpu.memory_space<vmem>>, vector<16xf32>,
      %add3A_402 = arith.constant 34816 : i32
      %add3A_403 = vector.broadcast %add3A_402 : i32 to vector<16xi32>
      %add3A_404 = arith.addi %get3A_58, %add3A_403 : vector<16xi32>
      %gather3A_405 = tpu.vector_load_idx %arg7[%add3A_404] : memref<65536xf32, #tpu.memory_space<vmem>>[vector<16xi32>], vector<16xf32>,
      %mul3A_406 = arith.constant 16 : i32
      %mul3A_407 = arith.muli %scan3A_55, %mul3A_406 : i32
      %swap3A_408 = arith.constant 34 : i32
      %swap3A_409 = arith.index_cast %swap3A_408 : i32 to index
      %swap3A_410 = arith.index_cast %mul3A_407 : i32 to index
      %swap3A_411 = tpu.vector_load %arg8[%swap3A_409, %swap3A_410] {strides = array<i32>} : memref<64x512xf32, #tpu.memory_space<vmem>>, vector<16xf32>,
      tpu.vector_store %arg8[%swap3A_409, %swap3A_410], %gather3A_405 {strides = array<i32>} : memref<64x512xf32, #tpu.memory_space<vmem>>, vector<16xf32>,
      %add3A_412 = arith.constant 35840 : i32
      %add3A_413 = vector.broadcast %add3A_412 : i32 to vector<16xi32>
      %add3A_414 = arith.addi %get3A_58, %add3A_413 : vector<16xi32>
      %gather3A_415 = tpu.vector_load_idx %arg7[%add3A_414] : memref<65536xf32, #tpu.memory_space<vmem>>[vector<16xi32>], vector<16xf32>,
      %mul3A_416 = arith.constant 16 : i32
      %mul3A_417 = arith.muli %scan3A_55, %mul3A_416 : i32
      %swap3A_418 = arith.constant 35 : i32
      %swap3A_419 = arith.index_cast %swap3A_418 : i32 to index
      %swap3A_420 = arith.index_cast %mul3A_417 : i32 to index
      %swap3A_421 = tpu.vector_load %arg8[%swap3A_419, %swap3A_420] {strides = array<i32>} : memref<64x512xf32, #tpu.memory_space<vmem>>, vector<16xf32>,
      tpu.vector_store %arg8[%swap3A_419, %swap3A_420], %gather3A_415 {strides = array<i32>} : memref<64x512xf32, #tpu.memory_space<vmem>>, vector<16xf32>,
      %add3A_422 = arith.constant 36864 : i32
      %add3A_423 = vector.broadcast %add3A_422 : i32 to vector<16xi32>
      %add3A_424 = arith.addi %get3A_58, %add3A_423 : vector<16xi32>
      %gather3A_425 = tpu.vector_load_idx %arg7[%add3A_424] : memref<65536xf32, #tpu.memory_space<vmem>>[vector<16xi32>], vector<16xf32>,
      %mul3A_426 = arith.constant 16 : i32
      %mul3A_427 = arith.muli %scan3A_55, %mul3A_426 : i32
      %swap3A_428 = arith.constant 36 : i32
      %swap3A_429 = arith.index_cast %swap3A_428 : i32 to index
      %swap3A_430 = arith.index_cast %mul3A_427 : i32 to index
      %swap3A_431 = tpu.vector_load %arg8[%swap3A_429, %swap3A_430] {strides = array<i32>} : memref<64x512xf32, #tpu.memory_space<vmem>>, vector<16xf32>,
      tpu.vector_store %arg8[%swap3A_429, %swap3A_430], %gather3A_425 {strides = array<i32>} : memref<64x512xf32, #tpu.memory_space<vmem>>, vector<16xf32>,
      %add3A_432 = arith.constant 37888 : i32
      %add3A_433 = vector.broadcast %add3A_432 : i32 to vector<16xi32>
      %add3A_434 = arith.addi %get3A_58, %add3A_433 : vector<16xi32>
      %gather3A_435 = tpu.vector_load_idx %arg7[%add3A_434] : memref<65536xf32, #tpu.memory_space<vmem>>[vector<16xi32>], vector<16xf32>,
      %mul3A_436 = arith.constant 16 : i32
      %mul3A_437 = arith.muli %scan3A_55, %mul3A_436 : i32
      %swap3A_438 = arith.constant 37 : i32
      %swap3A_439 = arith.index_cast %swap3A_438 : i32 to index
      %swap3A_440 = arith.index_cast %mul3A_437 : i32 to index
      %swap3A_441 = tpu.vector_load %arg8[%swap3A_439, %swap3A_440] {strides = array<i32>} : memref<64x512xf32, #tpu.memory_space<vmem>>, vector<16xf32>,
      tpu.vector_store %arg8[%swap3A_439, %swap3A_440], %gather3A_435 {strides = array<i32>} : memref<64x512xf32, #tpu.memory_space<vmem>>, vector<16xf32>,
      %add3A_442 = arith.constant 38912 : i32
      %add3A_443 = vector.broadcast %add3A_442 : i32 to vector<16xi32>
      %add3A_444 = arith.addi %get3A_58, %add3A_443 : vector<16xi32>
      %gather3A_445 = tpu.vector_load_idx %arg7[%add3A_444] : memref<65536xf32, #tpu.memory_space<vmem>>[vector<16xi32>], vector<16xf32>,
      %mul3A_446 = arith.constant 16 : i32
      %mul3A_447 = arith.muli %scan3A_55, %mul3A_446 : i32
      %swap3A_448 = arith.constant 38 : i32
      %swap3A_449 = arith.index_cast %swap3A_448 : i32 to index
      %swap3A_450 = arith.index_cast %mul3A_447 : i32 to index
      %swap3A_451 = tpu.vector_load %arg8[%swap3A_449, %swap3A_450] {strides = array<i32>} : memref<64x512xf32, #tpu.memory_space<vmem>>, vector<16xf32>,
      tpu.vector_store %arg8[%swap3A_449, %swap3A_450], %gather3A_445 {strides = array<i32>} : memref<64x512xf32, #tpu.memory_space<vmem>>, vector<16xf32>,
      %add3A_452 = arith.constant 39936 : i32
      %add3A_453 = vector.broadcast %add3A_452 : i32 to vector<16xi32>
      %add3A_454 = arith.addi %get3A_58, %add3A_453 : vector<16xi32>
      %gather3A_455 = tpu.vector_load_idx %arg7[%add3A_454] : memref<65536xf32, #tpu.memory_space<vmem>>[vector<16xi32>], vector<16xf32>,
      %mul3A_456 = arith.constant 16 : i32
      %mul3A_457 = arith.muli %scan3A_55, %mul3A_456 : i32
      %swap3A_458 = arith.constant 39 : i32
      %swap3A_459 = arith.index_cast %swap3A_458 : i32 to index
      %swap3A_460 = arith.index_cast %mul3A_457 : i32 to index
      %swap3A_461 = tpu.vector_load %arg8[%swap3A_459, %swap3A_460] {strides = array<i32>} : memref<64x512xf32, #tpu.memory_space<vmem>>, vector<16xf32>,
      tpu.vector_store %arg8[%swap3A_459, %swap3A_460], %gather3A_455 {strides = array<i32>} : memref<64x512xf32, #tpu.memory_space<vmem>>, vector<16xf32>,
      %add3A_462 = arith.constant 40960 : i32
      %add3A_463 = vector.broadcast %add3A_462 : i32 to vector<16xi32>
      %add3A_464 = arith.addi %get3A_58, %add3A_463 : vector<16xi32>
      %gather3A_465 = tpu.vector_load_idx %arg7[%add3A_464] : memref<65536xf32, #tpu.memory_space<vmem>>[vector<16xi32>], vector<16xf32>,
      %mul3A_466 = arith.constant 16 : i32
      %mul3A_467 = arith.muli %scan3A_55, %mul3A_466 : i32
      %swap3A_468 = arith.constant 40 : i32
      %swap3A_469 = arith.index_cast %swap3A_468 : i32 to index
      %swap3A_470 = arith.index_cast %mul3A_467 : i32 to index
      %swap3A_471 = tpu.vector_load %arg8[%swap3A_469, %swap3A_470] {strides = array<i32>} : memref<64x512xf32, #tpu.memory_space<vmem>>, vector<16xf32>,
      tpu.vector_store %arg8[%swap3A_469, %swap3A_470], %gather3A_465 {strides = array<i32>} : memref<64x512xf32, #tpu.memory_space<vmem>>, vector<16xf32>,
      %add3A_472 = arith.constant 41984 : i32
      %add3A_473 = vector.broadcast %add3A_472 : i32 to vector<16xi32>
      %add3A_474 = arith.addi %get3A_58, %add3A_473 : vector<16xi32>
      %gather3A_475 = tpu.vector_load_idx %arg7[%add3A_474] : memref<65536xf32, #tpu.memory_space<vmem>>[vector<16xi32>], vector<16xf32>,
      %mul3A_476 = arith.constant 16 : i32
      %mul3A_477 = arith.muli %scan3A_55, %mul3A_476 : i32
      %swap3A_478 = arith.constant 41 : i32
      %swap3A_479 = arith.index_cast %swap3A_478 : i32 to index
      %swap3A_480 = arith.index_cast %mul3A_477 : i32 to index
      %swap3A_481 = tpu.vector_load %arg8[%swap3A_479, %swap3A_480] {strides = array<i32>} : memref<64x512xf32, #tpu.memory_space<vmem>>, vector<16xf32>,
      tpu.vector_store %arg8[%swap3A_479, %swap3A_480], %gather3A_475 {strides = array<i32>} : memref<64x512xf32, #tpu.memory_space<vmem>>, vector<16xf32>,
      %add3A_482 = arith.constant 43008 : i32
      %add3A_483 = vector.broadcast %add3A_482 : i32 to vector<16xi32>
      %add3A_484 = arith.addi %get3A_58, %add3A_483 : vector<16xi32>
      %gather3A_485 = tpu.vector_load_idx %arg7[%add3A_484] : memref<65536xf32, #tpu.memory_space<vmem>>[vector<16xi32>], vector<16xf32>,
      %mul3A_486 = arith.constant 16 : i32
      %mul3A_487 = arith.muli %scan3A_55, %mul3A_486 : i32
      %swap3A_488 = arith.constant 42 : i32
      %swap3A_489 = arith.index_cast %swap3A_488 : i32 to index
      %swap3A_490 = arith.index_cast %mul3A_487 : i32 to index
      %swap3A_491 = tpu.vector_load %arg8[%swap3A_489, %swap3A_490] {strides = array<i32>} : memref<64x512xf32, #tpu.memory_space<vmem>>, vector<16xf32>,
      tpu.vector_store %arg8[%swap3A_489, %swap3A_490], %gather3A_485 {strides = array<i32>} : memref<64x512xf32, #tpu.memory_space<vmem>>, vector<16xf32>,
      %add3A_492 = arith.constant 44032 : i32
      %add3A_493 = vector.broadcast %add3A_492 : i32 to vector<16xi32>
      %add3A_494 = arith.addi %get3A_58, %add3A_493 : vector<16xi32>
      %gather3A_495 = tpu.vector_load_idx %arg7[%add3A_494] : memref<65536xf32, #tpu.memory_space<vmem>>[vector<16xi32>], vector<16xf32>,
      %mul3A_496 = arith.constant 16 : i32
      %mul3A_497 = arith.muli %scan3A_55, %mul3A_496 : i32
      %swap3A_498 = arith.constant 43 : i32
      %swap3A_499 = arith.index_cast %swap3A_498 : i32 to index
      %swap3A_500 = arith.index_cast %mul3A_497 : i32 to index
      %swap3A_501 = tpu.vector_load %arg8[%swap3A_499, %swap3A_500] {strides = array<i32>} : memref<64x512xf32, #tpu.memory_space<vmem>>, vector<16xf32>,
      tpu.vector_store %arg8[%swap3A_499, %swap3A_500], %gather3A_495 {strides = array<i32>} : memref<64x512xf32, #tpu.memory_space<vmem>>, vector<16xf32>,
      %add3A_502 = arith.constant 45056 : i32
      %add3A_503 = vector.broadcast %add3A_502 : i32 to vector<16xi32>
      %add3A_504 = arith.addi %get3A_58, %add3A_503 : vector<16xi32>
      %gather3A_505 = tpu.vector_load_idx %arg7[%add3A_504] : memref<65536xf32, #tpu.memory_space<vmem>>[vector<16xi32>], vector<16xf32>,
      %mul3A_506 = arith.constant 16 : i32
      %mul3A_507 = arith.muli %scan3A_55, %mul3A_506 : i32
      %swap3A_508 = arith.constant 44 : i32
      %swap3A_509 = arith.index_cast %swap3A_508 : i32 to index
      %swap3A_510 = arith.index_cast %mul3A_507 : i32 to index
      %swap3A_511 = tpu.vector_load %arg8[%swap3A_509, %swap3A_510] {strides = array<i32>} : memref<64x512xf32, #tpu.memory_space<vmem>>, vector<16xf32>,
      tpu.vector_store %arg8[%swap3A_509, %swap3A_510], %gather3A_505 {strides = array<i32>} : memref<64x512xf32, #tpu.memory_space<vmem>>, vector<16xf32>,
      %add3A_512 = arith.constant 46080 : i32
      %add3A_513 = vector.broadcast %add3A_512 : i32 to vector<16xi32>
      %add3A_514 = arith.addi %get3A_58, %add3A_513 : vector<16xi32>
      %gather3A_515 = tpu.vector_load_idx %arg7[%add3A_514] : memref<65536xf32, #tpu.memory_space<vmem>>[vector<16xi32>], vector<16xf32>,
      %mul3A_516 = arith.constant 16 : i32
      %mul3A_517 = arith.muli %scan3A_55, %mul3A_516 : i32
      %swap3A_518 = arith.constant 45 : i32
      %swap3A_519 = arith.index_cast %swap3A_518 : i32 to index
      %swap3A_520 = arith.index_cast %mul3A_517 : i32 to index
      %swap3A_521 = tpu.vector_load %arg8[%swap3A_519, %swap3A_520] {strides = array<i32>} : memref<64x512xf32, #tpu.memory_space<vmem>>, vector<16xf32>,
      tpu.vector_store %arg8[%swap3A_519, %swap3A_520], %gather3A_515 {strides = array<i32>} : memref<64x512xf32, #tpu.memory_space<vmem>>, vector<16xf32>,
      %add3A_522 = arith.constant 47104 : i32
      %add3A_523 = vector.broadcast %add3A_522 : i32 to vector<16xi32>
      %add3A_524 = arith.addi %get3A_58, %add3A_523 : vector<16xi32>
      %gather3A_525 = tpu.vector_load_idx %arg7[%add3A_524] : memref<65536xf32, #tpu.memory_space<vmem>>[vector<16xi32>], vector<16xf32>,
      %mul3A_526 = arith.constant 16 : i32
      %mul3A_527 = arith.muli %scan3A_55, %mul3A_526 : i32
      %swap3A_528 = arith.constant 46 : i32
      %swap3A_529 = arith.index_cast %swap3A_528 : i32 to index
      %swap3A_530 = arith.index_cast %mul3A_527 : i32 to index
      %swap3A_531 = tpu.vector_load %arg8[%swap3A_529, %swap3A_530] {strides = array<i32>} : memref<64x512xf32, #tpu.memory_space<vmem>>, vector<16xf32>,
      tpu.vector_store %arg8[%swap3A_529, %swap3A_530], %gather3A_525 {strides = array<i32>} : memref<64x512xf32, #tpu.memory_space<vmem>>, vector<16xf32>,
      %add3A_532 = arith.constant 48128 : i32
      %add3A_533 = vector.broadcast %add3A_532 : i32 to vector<16xi32>
      %add3A_534 = arith.addi %get3A_58, %add3A_533 : vector<16xi32>
      %gather3A_535 = tpu.vector_load_idx %arg7[%add3A_534] : memref<65536xf32, #tpu.memory_space<vmem>>[vector<16xi32>], vector<16xf32>,
      %mul3A_536 = arith.constant 16 : i32
      %mul3A_537 = arith.muli %scan3A_55, %mul3A_536 : i32
      %swap3A_538 = arith.constant 47 : i32
      %swap3A_539 = arith.index_cast %swap3A_538 : i32 to index
      %swap3A_540 = arith.index_cast %mul3A_537 : i32 to index
      %swap3A_541 = tpu.vector_load %arg8[%swap3A_539, %swap3A_540] {strides = array<i32>} : memref<64x512xf32, #tpu.memory_space<vmem>>, vector<16xf32>,
      tpu.vector_store %arg8[%swap3A_539, %swap3A_540], %gather3A_535 {strides = array<i32>} : memref<64x512xf32, #tpu.memory_space<vmem>>, vector<16xf32>,
      %add3A_542 = arith.constant 49152 : i32
      %add3A_543 = vector.broadcast %add3A_542 : i32 to vector<16xi32>
      %add3A_544 = arith.addi %get3A_58, %add3A_543 : vector<16xi32>
      %gather3A_545 = tpu.vector_load_idx %arg7[%add3A_544] : memref<65536xf32, #tpu.memory_space<vmem>>[vector<16xi32>], vector<16xf32>,
      %mul3A_546 = arith.constant 16 : i32
      %mul3A_547 = arith.muli %scan3A_55, %mul3A_546 : i32
      %swap3A_548 = arith.constant 48 : i32
      %swap3A_549 = arith.index_cast %swap3A_548 : i32 to index
      %swap3A_550 = arith.index_cast %mul3A_547 : i32 to index
      %swap3A_551 = tpu.vector_load %arg8[%swap3A_549, %swap3A_550] {strides = array<i32>} : memref<64x512xf32, #tpu.memory_space<vmem>>, vector<16xf32>,
      tpu.vector_store %arg8[%swap3A_549, %swap3A_550], %gather3A_545 {strides = array<i32>} : memref<64x512xf32, #tpu.memory_space<vmem>>, vector<16xf32>,
      %add3A_552 = arith.constant 50176 : i32
      %add3A_553 = vector.broadcast %add3A_552 : i32 to vector<16xi32>
      %add3A_554 = arith.addi %get3A_58, %add3A_553 : vector<16xi32>
      %gather3A_555 = tpu.vector_load_idx %arg7[%add3A_554] : memref<65536xf32, #tpu.memory_space<vmem>>[vector<16xi32>], vector<16xf32>,
      %mul3A_556 = arith.constant 16 : i32
      %mul3A_557 = arith.muli %scan3A_55, %mul3A_556 : i32
      %swap3A_558 = arith.constant 49 : i32
      %swap3A_559 = arith.index_cast %swap3A_558 : i32 to index
      %swap3A_560 = arith.index_cast %mul3A_557 : i32 to index
      %swap3A_561 = tpu.vector_load %arg8[%swap3A_559, %swap3A_560] {strides = array<i32>} : memref<64x512xf32, #tpu.memory_space<vmem>>, vector<16xf32>,
      tpu.vector_store %arg8[%swap3A_559, %swap3A_560], %gather3A_555 {strides = array<i32>} : memref<64x512xf32, #tpu.memory_space<vmem>>, vector<16xf32>,
      %add3A_562 = arith.constant 51200 : i32
      %add3A_563 = vector.broadcast %add3A_562 : i32 to vector<16xi32>
      %add3A_564 = arith.addi %get3A_58, %add3A_563 : vector<16xi32>
      %gather3A_565 = tpu.vector_load_idx %arg7[%add3A_564] : memref<65536xf32, #tpu.memory_space<vmem>>[vector<16xi32>], vector<16xf32>,
      %mul3A_566 = arith.constant 16 : i32
      %mul3A_567 = arith.muli %scan3A_55, %mul3A_566 : i32
      %swap3A_568 = arith.constant 50 : i32
      %swap3A_569 = arith.index_cast %swap3A_568 : i32 to index
      %swap3A_570 = arith.index_cast %mul3A_567 : i32 to index
      %swap3A_571 = tpu.vector_load %arg8[%swap3A_569, %swap3A_570] {strides = array<i32>} : memref<64x512xf32, #tpu.memory_space<vmem>>, vector<16xf32>,
      tpu.vector_store %arg8[%swap3A_569, %swap3A_570], %gather3A_565 {strides = array<i32>} : memref<64x512xf32, #tpu.memory_space<vmem>>, vector<16xf32>,
      %add3A_572 = arith.constant 52224 : i32
      %add3A_573 = vector.broadcast %add3A_572 : i32 to vector<16xi32>
      %add3A_574 = arith.addi %get3A_58, %add3A_573 : vector<16xi32>
      %gather3A_575 = tpu.vector_load_idx %arg7[%add3A_574] : memref<65536xf32, #tpu.memory_space<vmem>>[vector<16xi32>], vector<16xf32>,
      %mul3A_576 = arith.constant 16 : i32
      %mul3A_577 = arith.muli %scan3A_55, %mul3A_576 : i32
      %swap3A_578 = arith.constant 51 : i32
      %swap3A_579 = arith.index_cast %swap3A_578 : i32 to index
      %swap3A_580 = arith.index_cast %mul3A_577 : i32 to index
      %swap3A_581 = tpu.vector_load %arg8[%swap3A_579, %swap3A_580] {strides = array<i32>} : memref<64x512xf32, #tpu.memory_space<vmem>>, vector<16xf32>,
      tpu.vector_store %arg8[%swap3A_579, %swap3A_580], %gather3A_575 {strides = array<i32>} : memref<64x512xf32, #tpu.memory_space<vmem>>, vector<16xf32>,
      %add3A_582 = arith.constant 53248 : i32
      %add3A_583 = vector.broadcast %add3A_582 : i32 to vector<16xi32>
      %add3A_584 = arith.addi %get3A_58, %add3A_583 : vector<16xi32>
      %gather3A_585 = tpu.vector_load_idx %arg7[%add3A_584] : memref<65536xf32, #tpu.memory_space<vmem>>[vector<16xi32>], vector<16xf32>,
      %mul3A_586 = arith.constant 16 : i32
      %mul3A_587 = arith.muli %scan3A_55, %mul3A_586 : i32
      %swap3A_588 = arith.constant 52 : i32
      %swap3A_589 = arith.index_cast %swap3A_588 : i32 to index
      %swap3A_590 = arith.index_cast %mul3A_587 : i32 to index
      %swap3A_591 = tpu.vector_load %arg8[%swap3A_589, %swap3A_590] {strides = array<i32>} : memref<64x512xf32, #tpu.memory_space<vmem>>, vector<16xf32>,
      tpu.vector_store %arg8[%swap3A_589, %swap3A_590], %gather3A_585 {strides = array<i32>} : memref<64x512xf32, #tpu.memory_space<vmem>>, vector<16xf32>,
      %add3A_592 = arith.constant 54272 : i32
      %add3A_593 = vector.broadcast %add3A_592 : i32 to vector<16xi32>
      %add3A_594 = arith.addi %get3A_58, %add3A_593 : vector<16xi32>
      %gather3A_595 = tpu.vector_load_idx %arg7[%add3A_594] : memref<65536xf32, #tpu.memory_space<vmem>>[vector<16xi32>], vector<16xf32>,
      %mul3A_596 = arith.constant 16 : i32
      %mul3A_597 = arith.muli %scan3A_55, %mul3A_596 : i32
      %swap3A_598 = arith.constant 53 : i32
      %swap3A_599 = arith.index_cast %swap3A_598 : i32 to index
      %swap3A_600 = arith.index_cast %mul3A_597 : i32 to index
      %swap3A_601 = tpu.vector_load %arg8[%swap3A_599, %swap3A_600] {strides = array<i32>} : memref<64x512xf32, #tpu.memory_space<vmem>>, vector<16xf32>,
      tpu.vector_store %arg8[%swap3A_599, %swap3A_600], %gather3A_595 {strides = array<i32>} : memref<64x512xf32, #tpu.memory_space<vmem>>, vector<16xf32>,
      %add3A_602 = arith.constant 55296 : i32
      %add3A_603 = vector.broadcast %add3A_602 : i32 to vector<16xi32>
      %add3A_604 = arith.addi %get3A_58, %add3A_603 : vector<16xi32>
      %gather3A_605 = tpu.vector_load_idx %arg7[%add3A_604] : memref<65536xf32, #tpu.memory_space<vmem>>[vector<16xi32>], vector<16xf32>,
      %mul3A_606 = arith.constant 16 : i32
      %mul3A_607 = arith.muli %scan3A_55, %mul3A_606 : i32
      %swap3A_608 = arith.constant 54 : i32
      %swap3A_609 = arith.index_cast %swap3A_608 : i32 to index
      %swap3A_610 = arith.index_cast %mul3A_607 : i32 to index
      %swap3A_611 = tpu.vector_load %arg8[%swap3A_609, %swap3A_610] {strides = array<i32>} : memref<64x512xf32, #tpu.memory_space<vmem>>, vector<16xf32>,
      tpu.vector_store %arg8[%swap3A_609, %swap3A_610], %gather3A_605 {strides = array<i32>} : memref<64x512xf32, #tpu.memory_space<vmem>>, vector<16xf32>,
      %add3A_612 = arith.constant 56320 : i32
      %add3A_613 = vector.broadcast %add3A_612 : i32 to vector<16xi32>
      %add3A_614 = arith.addi %get3A_58, %add3A_613 : vector<16xi32>
      %gather3A_615 = tpu.vector_load_idx %arg7[%add3A_614] : memref<65536xf32, #tpu.memory_space<vmem>>[vector<16xi32>], vector<16xf32>,
      %mul3A_616 = arith.constant 16 : i32
      %mul3A_617 = arith.muli %scan3A_55, %mul3A_616 : i32
      %swap3A_618 = arith.constant 55 : i32
      %swap3A_619 = arith.index_cast %swap3A_618 : i32 to index
      %swap3A_620 = arith.index_cast %mul3A_617 : i32 to index
      %swap3A_621 = tpu.vector_load %arg8[%swap3A_619, %swap3A_620] {strides = array<i32>} : memref<64x512xf32, #tpu.memory_space<vmem>>, vector<16xf32>,
      tpu.vector_store %arg8[%swap3A_619, %swap3A_620], %gather3A_615 {strides = array<i32>} : memref<64x512xf32, #tpu.memory_space<vmem>>, vector<16xf32>,
      %add3A_622 = arith.constant 57344 : i32
      %add3A_623 = vector.broadcast %add3A_622 : i32 to vector<16xi32>
      %add3A_624 = arith.addi %get3A_58, %add3A_623 : vector<16xi32>
      %gather3A_625 = tpu.vector_load_idx %arg7[%add3A_624] : memref<65536xf32, #tpu.memory_space<vmem>>[vector<16xi32>], vector<16xf32>,
      %mul3A_626 = arith.constant 16 : i32
      %mul3A_627 = arith.muli %scan3A_55, %mul3A_626 : i32
      %swap3A_628 = arith.constant 56 : i32
      %swap3A_629 = arith.index_cast %swap3A_628 : i32 to index
      %swap3A_630 = arith.index_cast %mul3A_627 : i32 to index
      %swap3A_631 = tpu.vector_load %arg8[%swap3A_629, %swap3A_630] {strides = array<i32>} : memref<64x512xf32, #tpu.memory_space<vmem>>, vector<16xf32>,
      tpu.vector_store %arg8[%swap3A_629, %swap3A_630], %gather3A_625 {strides = array<i32>} : memref<64x512xf32, #tpu.memory_space<vmem>>, vector<16xf32>,
      %add3A_632 = arith.constant 58368 : i32
      %add3A_633 = vector.broadcast %add3A_632 : i32 to vector<16xi32>
      %add3A_634 = arith.addi %get3A_58, %add3A_633 : vector<16xi32>
      %gather3A_635 = tpu.vector_load_idx %arg7[%add3A_634] : memref<65536xf32, #tpu.memory_space<vmem>>[vector<16xi32>], vector<16xf32>,
      %mul3A_636 = arith.constant 16 : i32
      %mul3A_637 = arith.muli %scan3A_55, %mul3A_636 : i32
      %swap3A_638 = arith.constant 57 : i32
      %swap3A_639 = arith.index_cast %swap3A_638 : i32 to index
      %swap3A_640 = arith.index_cast %mul3A_637 : i32 to index
      %swap3A_641 = tpu.vector_load %arg8[%swap3A_639, %swap3A_640] {strides = array<i32>} : memref<64x512xf32, #tpu.memory_space<vmem>>, vector<16xf32>,
      tpu.vector_store %arg8[%swap3A_639, %swap3A_640], %gather3A_635 {strides = array<i32>} : memref<64x512xf32, #tpu.memory_space<vmem>>, vector<16xf32>,
      %add3A_642 = arith.constant 59392 : i32
      %add3A_643 = vector.broadcast %add3A_642 : i32 to vector<16xi32>
      %add3A_644 = arith.addi %get3A_58, %add3A_643 : vector<16xi32>
      %gather3A_645 = tpu.vector_load_idx %arg7[%add3A_644] : memref<65536xf32, #tpu.memory_space<vmem>>[vector<16xi32>], vector<16xf32>,
      %mul3A_646 = arith.constant 16 : i32
      %mul3A_647 = arith.muli %scan3A_55, %mul3A_646 : i32
      %swap3A_648 = arith.constant 58 : i32
      %swap3A_649 = arith.index_cast %swap3A_648 : i32 to index
      %swap3A_650 = arith.index_cast %mul3A_647 : i32 to index
      %swap3A_651 = tpu.vector_load %arg8[%swap3A_649, %swap3A_650] {strides = array<i32>} : memref<64x512xf32, #tpu.memory_space<vmem>>, vector<16xf32>,
      tpu.vector_store %arg8[%swap3A_649, %swap3A_650], %gather3A_645 {strides = array<i32>} : memref<64x512xf32, #tpu.memory_space<vmem>>, vector<16xf32>,
      %add3A_652 = arith.constant 60416 : i32
      %add3A_653 = vector.broadcast %add3A_652 : i32 to vector<16xi32>
      %add3A_654 = arith.addi %get3A_58, %add3A_653 : vector<16xi32>
      %gather3A_655 = tpu.vector_load_idx %arg7[%add3A_654] : memref<65536xf32, #tpu.memory_space<vmem>>[vector<16xi32>], vector<16xf32>,
      %mul3A_656 = arith.constant 16 : i32
      %mul3A_657 = arith.muli %scan3A_55, %mul3A_656 : i32
      %swap3A_658 = arith.constant 59 : i32
      %swap3A_659 = arith.index_cast %swap3A_658 : i32 to index
      %swap3A_660 = arith.index_cast %mul3A_657 : i32 to index
      %swap3A_661 = tpu.vector_load %arg8[%swap3A_659, %swap3A_660] {strides = array<i32>} : memref<64x512xf32, #tpu.memory_space<vmem>>, vector<16xf32>,
      tpu.vector_store %arg8[%swap3A_659, %swap3A_660], %gather3A_655 {strides = array<i32>} : memref<64x512xf32, #tpu.memory_space<vmem>>, vector<16xf32>,
      %add3A_662 = arith.constant 61440 : i32
      %add3A_663 = vector.broadcast %add3A_662 : i32 to vector<16xi32>
      %add3A_664 = arith.addi %get3A_58, %add3A_663 : vector<16xi32>
      %gather3A_665 = tpu.vector_load_idx %arg7[%add3A_664] : memref<65536xf32, #tpu.memory_space<vmem>>[vector<16xi32>], vector<16xf32>,
      %mul3A_666 = arith.constant 16 : i32
      %mul3A_667 = arith.muli %scan3A_55, %mul3A_666 : i32
      %swap3A_668 = arith.constant 60 : i32
      %swap3A_669 = arith.index_cast %swap3A_668 : i32 to index
      %swap3A_670 = arith.index_cast %mul3A_667 : i32 to index
      %swap3A_671 = tpu.vector_load %arg8[%swap3A_669, %swap3A_670] {strides = array<i32>} : memref<64x512xf32, #tpu.memory_space<vmem>>, vector<16xf32>,
      tpu.vector_store %arg8[%swap3A_669, %swap3A_670], %gather3A_665 {strides = array<i32>} : memref<64x512xf32, #tpu.memory_space<vmem>>, vector<16xf32>,
      %add3A_672 = arith.constant 62464 : i32
      %add3A_673 = vector.broadcast %add3A_672 : i32 to vector<16xi32>
      %add3A_674 = arith.addi %get3A_58, %add3A_673 : vector<16xi32>
      %gather3A_675 = tpu.vector_load_idx %arg7[%add3A_674] : memref<65536xf32, #tpu.memory_space<vmem>>[vector<16xi32>], vector<16xf32>,
      %mul3A_676 = arith.constant 16 : i32
      %mul3A_677 = arith.muli %scan3A_55, %mul3A_676 : i32
      %swap3A_678 = arith.constant 61 : i32
      %swap3A_679 = arith.index_cast %swap3A_678 : i32 to index
      %swap3A_680 = arith.index_cast %mul3A_677 : i32 to index
      %swap3A_681 = tpu.vector_load %arg8[%swap3A_679, %swap3A_680] {strides = array<i32>} : memref<64x512xf32, #tpu.memory_space<vmem>>, vector<16xf32>,
      tpu.vector_store %arg8[%swap3A_679, %swap3A_680], %gather3A_675 {strides = array<i32>} : memref<64x512xf32, #tpu.memory_space<vmem>>, vector<16xf32>,
      %add3A_682 = arith.constant 63488 : i32
      %add3A_683 = vector.broadcast %add3A_682 : i32 to vector<16xi32>
      %add3A_684 = arith.addi %get3A_58, %add3A_683 : vector<16xi32>
      %gather3A_685 = tpu.vector_load_idx %arg7[%add3A_684] : memref<65536xf32, #tpu.memory_space<vmem>>[vector<16xi32>], vector<16xf32>,
      %mul3A_686 = arith.constant 16 : i32
      %mul3A_687 = arith.muli %scan3A_55, %mul3A_686 : i32
      %swap3A_688 = arith.constant 62 : i32
      %swap3A_689 = arith.index_cast %swap3A_688 : i32 to index
      %swap3A_690 = arith.index_cast %mul3A_687 : i32 to index
      %swap3A_691 = tpu.vector_load %arg8[%swap3A_689, %swap3A_690] {strides = array<i32>} : memref<64x512xf32, #tpu.memory_space<vmem>>, vector<16xf32>,
      tpu.vector_store %arg8[%swap3A_689, %swap3A_690], %gather3A_685 {strides = array<i32>} : memref<64x512xf32, #tpu.memory_space<vmem>>, vector<16xf32>,
      %add3A_692 = arith.constant 64512 : i32
      %add3A_693 = vector.broadcast %add3A_692 : i32 to vector<16xi32>
      %add3A_694 = arith.addi %get3A_58, %add3A_693 : vector<16xi32>
      %gather3A_695 = tpu.vector_load_idx %arg7[%add3A_694] : memref<65536xf32, #tpu.memory_space<vmem>>[vector<16xi32>], vector<16xf32>,
      %mul3A_696 = arith.constant 16 : i32
      %mul3A_697 = arith.muli %scan3A_55, %mul3A_696 : i32
      %swap3A_698 = arith.constant 63 : i32
      %swap3A_699 = arith.index_cast %swap3A_698 : i32 to index
      %swap3A_700 = arith.index_cast %mul3A_697 : i32 to index
      %swap3A_701 = tpu.vector_load %arg8[%swap3A_699, %swap3A_700] {strides = array<i32>} : memref<64x512xf32, #tpu.memory_space<vmem>>, vector<16xf32>,
      tpu.vector_store %arg8[%swap3A_699, %swap3A_700], %gather3A_695 {strides = array<i32>} : memref<64x512xf32, #tpu.memory_space<vmem>>, vector<16xf32>,
    }
    %scan3A_15 = arith.constant 32 : i32
    %jit3A = arith.constant 2 : i32
    %div3A = arith.divsi %add3A, %jit3A : i32
    %sign3A = arith.constant 0 : i32
    %sign3A_16 = arith.cmpi sgt, %add3A, %sign3A : i32
    %sign3A_17 = arith.extui %sign3A_16 : i1 to i32
    %sign3A_18 = arith.constant 0 : i32
    %sign3A_19 = arith.cmpi slt, %add3A, %sign3A_18 : i32
    %sign3A_20 = arith.extui %sign3A_19 : i1 to i32
    %sign3A_21 = arith.subi %sign3A_17, %sign3A_20 : i32
    %sign3A_22 = arith.constant 0 : i32
    %sign3A_23 = arith.cmpi sgt, %jit3A, %sign3A_22 : i32
    %sign3A_24 = arith.extui %sign3A_23 : i1 to i32
    %sign3A_25 = arith.constant 0 : i32
    %sign3A_26 = arith.cmpi slt, %jit3A, %sign3A_25 : i32
    %sign3A_27 = arith.extui %sign3A_26 : i1 to i32
    %sign3A_28 = arith.subi %sign3A_24, %sign3A_27 : i32
    %ne3A = arith.cmpi ne, %sign3A_21, %sign3A_28 : i32
    %rem3A = arith.remsi %add3A, %jit3A : i32
    %ne3A_29 = arith.constant 0 : i32
    %ne3A_30 = arith.cmpi ne, %rem3A, %ne3A_29 : i32
    %and3A = arith.andi %ne3A, %ne3A_30 : i1
    %sub3A = arith.constant 1 : i32
    %sub3A_31 = arith.subi %div3A, %sub3A : i32
    %select_n3A = arith.select %and3A, %sub3A_31, %div3A : i32
    %jit3A_32 = arith.constant 2 : i32
    %eq3A_33 = arith.constant 0 : i32
    %eq3A_34 = arith.cmpi eq, %jit3A_32, %eq3A_33 : i32
    %jit3A_35 = arith.constant 1 : i32
    %select_n3A_36 = arith.select %eq3A_34, %jit3A_35, %jit3A_32 : i32
    %rem3A_37 = arith.remsi %add3A, %select_n3A_36 : i32
    %ne3A_38 = arith.constant 0 : i32
    %ne3A_39 = arith.cmpi ne, %rem3A_37, %ne3A_38 : i32
    %lt3A = arith.constant 0 : i32
    %lt3A_40 = arith.cmpi slt, %rem3A_37, %lt3A : i32
    %lt3A_41 = arith.constant 0 : i32
    %lt3A_42 = arith.cmpi slt, %select_n3A_36, %lt3A_41 : i32
    %ne3A_43 = arith.xori %lt3A_40, %lt3A_42 : i1
    %and3A_44 = arith.andi %ne3A_43, %ne3A_39 : i1
    %add3A_45 = arith.addi %rem3A_37, %select_n3A_36 : i32
    %select_n3A_46 = arith.select %and3A_44, %add3A_45, %rem3A_37 : i32
    %mul3A_47 = arith.constant 512 : i32
    %mul3A_48 = arith.muli %select_n3A_46, %mul3A_47 : i32
    "tpu.region"() ({
      %run_scoped3A = tpu.sem_alloc : memref<!tpu.dma_semaphore, #tpu.memory_space<semaphore_mem>>
      %dma_start3A = arith.constant 0 : i32
      %dma_start3A_55 = tpu.memref_slice %arg4[%select_n3A, %dma_start3A, %mul3A_48] : memref<16x64x1024xf32, #tpu.memory_space<hbm>> -> memref<1x64x512xf32, #tpu.memory_space<hbm>>
      %dma_start3A_56 = tpu.memref_squeeze %dma_start3A_55 : memref<1x64x512xf32, #tpu.memory_space<hbm>> -> memref<64x512xf32, #tpu.memory_space<hbm>>
      %dma_start3A_57 = arith.constant 0 : i32
      %dma_start3A_58 = tpu.memref_slice %arg4[%select_n3A, %dma_start3A_57, %mul3A_48] : memref<16x64x1024xf32, #tpu.memory_space<hbm>> -> memref<1x64x512xf32, #tpu.memory_space<hbm>>
      %dma_start3A_59 = tpu.memref_squeeze %dma_start3A_58 : memref<1x64x512xf32, #tpu.memory_space<hbm>> -> memref<64x512xf32, #tpu.memory_space<hbm>>
      tpu.enqueue_dma source(%arg8 : memref<64x512xf32, #tpu.memory_space<vmem>>) target(%dma_start3A_59 : memref<64x512xf32, #tpu.memory_space<hbm>>) target_semaphore(%run_scoped3A : memref<!tpu.dma_semaphore, #tpu.memory_space<semaphore_mem>>)
      %dma_wait3A = arith.constant 0 : i32
      %dma_wait3A_60 = tpu.memref_slice %arg4[%select_n3A, %dma_wait3A, %mul3A_48] : memref<16x64x1024xf32, #tpu.memory_space<hbm>> -> memref<1x64x512xf32, #tpu.memory_space<hbm>>
      %dma_wait3A_61 = tpu.memref_squeeze %dma_wait3A_60 : memref<1x64x512xf32, #tpu.memory_space<hbm>> -> memref<64x512xf32, #tpu.memory_space<hbm>>
      %dma_wait3A_62 = arith.constant 0 : i32
      %dma_wait3A_63 = tpu.memref_slice %arg4[%select_n3A, %dma_wait3A_62, %mul3A_48] : memref<16x64x1024xf32, #tpu.memory_space<hbm>> -> memref<1x64x512xf32, #tpu.memory_space<hbm>>
      %dma_wait3A_64 = tpu.memref_squeeze %dma_wait3A_63 : memref<1x64x512xf32, #tpu.memory_space<hbm>> -> memref<64x512xf32, #tpu.memory_space<hbm>>
      tpu.wait_dma2 semaphore(%run_scoped3A : memref<!tpu.dma_semaphore, #tpu.memory_space<semaphore_mem>>) src(%arg8 : memref<64x512xf32, #tpu.memory_space<vmem>>) dst(%dma_wait3A_64 : memref<64x512xf32, #tpu.memory_space<hbm>>)
      tpu.yield
    }) : () -> ()
    %barrier3A = arith.constant 0 : index
    tpu.barrier barrier_id(%barrier3A)
    "tpu.region"() ({
      %run_scoped3A = tpu.sem_alloc : memref<!tpu.dma_semaphore, #tpu.memory_space<semaphore_mem>>
      %dma_start3A = arith.constant 0 : i32
      %dma_start3A_55 = tpu.memref_slice %arg11[%dma_start3A] : memref<1024xf32, #tpu.memory_space<vmem_shared>> -> memref<1024xf32, #tpu.memory_space<vmem_shared>>
      tpu.enqueue_indirect_dma source(%arg9 : memref<512xf32, #tpu.memory_space<vmem>>) target(%dma_start3A_55 : memref<1024xf32, #tpu.memory_space<vmem_shared>>) offsets(%arg6 : memref<512xi32, #tpu.memory_space<vmem>>) semaphore(%run_scoped3A : memref<!tpu.dma_semaphore, #tpu.memory_space<semaphore_mem>>) {add = true}
      %dma_wait3A = arith.constant 0 : i32
      %dma_wait3A_56 = tpu.memref_slice %arg11[%dma_wait3A] : memref<1024xf32, #tpu.memory_space<vmem_shared>> -> memref<1024xf32, #tpu.memory_space<vmem_shared>>
      tpu.wait_indirect_dma semaphore(%run_scoped3A : memref<!tpu.dma_semaphore, #tpu.memory_space<semaphore_mem>>) src(%arg9 : memref<512xf32, #tpu.memory_space<vmem>>) dst(%dma_wait3A_56 : memref<1024xf32, #tpu.memory_space<vmem_shared>>)
      tpu.yield
    }) : () -> ()
    %barrier3A_49 = arith.constant 0 : index
    tpu.barrier barrier_id(%barrier3A_49)
    %eq3A_50 = arith.constant 0 : i32
    %eq3A_51 = arith.cmpi eq, %arg1, %eq3A_50 : i32
    %convert_element_type3A_52 = arith.extui %eq3A_51 : i1 to i32
    %cond3A_53 = arith.constant 0 : i32
    %cond3A_54 = arith.cmpi ne, %convert_element_type3A_52, %cond3A_53 : i32
    scf.if %cond3A_54 {
      "tpu.region"() ({
        %run_scoped3A = tpu.sem_alloc : memref<!tpu.dma_semaphore, #tpu.memory_space<semaphore_mem>>
        %dma_start3A = arith.constant 0 : i32
        %dma_start3A_55 = tpu.memref_slice %arg5[%arg0, %dma_start3A] : memref<2x1024xf32, #tpu.memory_space<hbm>> -> memref<1x1024xf32, #tpu.memory_space<hbm>>
        %dma_start3A_56 = tpu.memref_squeeze %dma_start3A_55 : memref<1x1024xf32, #tpu.memory_space<hbm>> -> memref<1024xf32, #tpu.memory_space<hbm>>
        tpu.enqueue_dma source(%arg11 : memref<1024xf32, #tpu.memory_space<vmem_shared>>) target(%dma_start3A_56 : memref<1024xf32, #tpu.memory_space<hbm>>) target_semaphore(%run_scoped3A : memref<!tpu.dma_semaphore, #tpu.memory_space<semaphore_mem>>)
        %dma_wait3A = arith.constant 0 : i32
        %dma_wait3A_57 = tpu.memref_slice %arg5[%arg0, %dma_wait3A] : memref<2x1024xf32, #tpu.memory_space<hbm>> -> memref<1x1024xf32, #tpu.memory_space<hbm>>
        %dma_wait3A_58 = tpu.memref_squeeze %dma_wait3A_57 : memref<1x1024xf32, #tpu.memory_space<hbm>> -> memref<1024xf32, #tpu.memory_space<hbm>>
        tpu.wait_dma2 semaphore(%run_scoped3A : memref<!tpu.dma_semaphore, #tpu.memory_space<semaphore_mem>>) src(%arg11 : memref<1024xf32, #tpu.memory_space<vmem_shared>>) dst(%dma_wait3A_58 : memref<1024xf32, #tpu.memory_space<hbm>>)
        tpu.yield
      }) : () -> ()
    } else {
    }
    return
  }
}

module attributes {stable_mosaic.version = 14 : i64} {
  func.func @_tc_main(%arg0: i32, %arg1: memref<1x64x1024xf32, #tpu.memory_space<vmem>>, %arg2: memref<1024x64xf32, #tpu.memory_space<vmem>>, %arg3: memref<1x1x1024xi32, #tpu.memory_space<vmem>>, %arg4: memref<64x1024xf32, #tpu.memory_space<vmem>>, %arg5: memref<1x128xf32, #tpu.memory_space<vmem>>, %arg6: memref<1xf32, #tpu.memory_space<smem>>, %arg7: memref<1x1024xf32, #tpu.memory_space<vmem>>) attributes {dimension_semantics = [#tpu.dimension_semantics<arbitrary>], iteration_bounds = array<i64: 16>, scalar_prefetch = 0 : i64, scratch_operands = 2 : i64, tpu.core_type = #tpu.core_type<tc>, window_params = [{transform_indices = @transform_0, window_bounds = array<i64: 1, 64, 1024>}, {pipeline_mode = #tpu.pipeline_mode<synchronous>, transform_indices = @transform_1, window_bounds = array<i64: 1024, 64>}, {transform_indices = @transform_2, window_bounds = array<i64: 1, 1, 1024>}, {pipeline_mode = #tpu.pipeline_mode<synchronous>, transform_indices = @transform_3, window_bounds = array<i64: 64, 1024>}, {pipeline_mode = #tpu.pipeline_mode<synchronous>, transform_indices = @transform_4, window_bounds = array<i64: 1, 128>}]} {
    %get3A = arith.constant 0 : index
    %get3A_0 = arith.constant 0 : index
    %get3A_1 = arith.constant 0 : index
    %get3A_2 = vector.load %arg1[%get3A, %get3A_0, %get3A_1] : memref<1x64x1024xf32, #tpu.memory_space<vmem>>, vector<1x64x1024xf32>
    %get3A_3 = vector.shape_cast %get3A_2 : vector<1x64x1024xf32> to vector<64x1024xf32>
    %get3A_4 = arith.constant 0 : index
    %get3A_5 = arith.constant 0 : index
    %get3A_6 = vector.load %arg2[%get3A_4, %get3A_5] : memref<1024x64xf32, #tpu.memory_space<vmem>>, vector<1024x64xf32>
    %eq3A = arith.constant 0 : i32
    %eq3A_7 = arith.cmpi eq, %arg0, %eq3A : i32
    %convert_element_type3A = arith.extui %eq3A_7 : i1 to i32
    %cond3A = arith.constant 0 : i32
    %cond3A_8 = arith.cmpi ne, %convert_element_type3A, %cond3A : i32
    scf.if %cond3A_8 {
      %mul3A_51 = arith.mulf %get3A_6, %get3A_6 : vector<1024x64xf32>
      %reduce_sum3A_52 = arith.constant dense<0.000000e+00> : vector<1024xf32>
      %reduce_sum3A_53 = vector.multi_reduction <add>, %mul3A_51, %reduce_sum3A_52 [1] : vector<1024x64xf32> to vector<1024xf32>
      %broadcast_in_dim3A_54 = vector.shape_cast %reduce_sum3A_53 : vector<1024xf32> to vector<1x1024xf32>
      %swap3A_55 = arith.constant 0 : index
      %swap3A_56 = arith.constant 0 : index
      %swap3A_57 = vector.load %arg7[%swap3A_55, %swap3A_56] : memref<1x1024xf32, #tpu.memory_space<vmem>>, vector<1x1024xf32>
      tpu.vector_store %arg7[%swap3A_55, %swap3A_56], %broadcast_in_dim3A_54 {strides = array<i32>} : memref<1x1024xf32, #tpu.memory_space<vmem>>, vector<1x1024xf32>,
      %transpose3A_58 = tpu.transpose %get3A_6, [1, 0] : vector<1024x64xf32> -> vector<64x1024xf32>
      %swap3A_59 = arith.constant 0 : index
      %swap3A_60 = arith.constant 0 : index
      %swap3A_61 = vector.load %arg4[%swap3A_59, %swap3A_60] : memref<64x1024xf32, #tpu.memory_space<vmem>>, vector<64x1024xf32>
      tpu.vector_store %arg4[%swap3A_59, %swap3A_60], %transpose3A_58 {strides = array<i32>} : memref<64x1024xf32, #tpu.memory_space<vmem>>, vector<64x1024xf32>,
    } else {
    }
    %transpose3A = tpu.transpose %get3A_3, [1, 0] : vector<64x1024xf32> -> vector<1024x64xf32>
    %mul3A = arith.mulf %transpose3A, %transpose3A : vector<1024x64xf32>
    %reduce_sum3A = arith.constant dense<0.000000e+00> : vector<1024xf32>
    %reduce_sum3A_9 = vector.multi_reduction <add>, %mul3A, %reduce_sum3A [1] : vector<1024x64xf32> to vector<1024xf32>
    %broadcast_in_dim3A = vector.shape_cast %reduce_sum3A_9 : vector<1024xf32> to vector<1024x1xf32>
    %transpose3A_10 = tpu.transpose %get3A_6, [1, 0] : vector<1024x64xf32> -> vector<64x1024xf32>
    %dot_general3A = arith.constant dense<0.000000e+00> : vector<1024x1024xf32>
    %dot_general3A_11 = tpu.matmul %transpose3A, %transpose3A_10, %dot_general3A {dimension_numbers = #tpu.dot_dimension_numbers<[1], [0], [0], [1], [0, 0, 1, 1], [], []>, transpose_lhs_hint = false} : vector<1024x64xf32>, vector<64x1024xf32>, vector<1024x1024xf32> -> vector<1024x1024xf32>
    %get3A_12 = arith.constant 0 : index
    %get3A_13 = arith.constant 0 : index
    %get3A_14 = vector.load %arg7[%get3A_12, %get3A_13] : memref<1x1024xf32, #tpu.memory_space<vmem>>, vector<1x1024xf32>
    %add3A = vector.broadcast %broadcast_in_dim3A : vector<1024x1xf32> to vector<1024x1024xf32>
    %add3A_15 = vector.broadcast %get3A_14 : vector<1x1024xf32> to vector<1024x1024xf32>
    %add3A_16 = arith.addf %add3A, %add3A_15 : vector<1024x1024xf32>
    %mul3A_17 = arith.constant 2.000000e+00 : f32
    %mul3A_18 = vector.broadcast %mul3A_17 : f32 to vector<1024x1024xf32>
    %mul3A_19 = arith.mulf %mul3A_18, %dot_general3A_11 : vector<1024x1024xf32>
    %sub3A = arith.subf %add3A_16, %mul3A_19 : vector<1024x1024xf32>
    %iota3A = tpu.iota {dimensions = array<i32: 1>} : vector<1024x1024xi32>
    %reduce_min3A = arith.constant dense<0x7F800000> : vector<1024xf32>
    %reduce_min3A_20 = vector.multi_reduction <minimumf>, %sub3A, %reduce_min3A [1] : vector<1024x1024xf32> to vector<1024xf32>
    %broadcast_in_dim3A_21 = vector.shape_cast %reduce_min3A_20 : vector<1024xf32> to vector<1024x1xf32>
    %eq3A_22 = vector.broadcast %broadcast_in_dim3A_21 : vector<1024x1xf32> to vector<1024x1024xf32>
    %eq3A_23 = arith.cmpf oeq, %sub3A, %eq3A_22 : vector<1024x1024xf32>
    %jit3A = arith.constant 1024 : i32
    %broadcast_in_dim3A_24 = vector.broadcast %jit3A : i32 to vector<1024x1024xi32>
    %select_n3A = arith.select %eq3A_23, %iota3A, %broadcast_in_dim3A_24 : vector<1024x1024xi1>, vector<1024x1024xi32>
    %reduce_min3A_25 = arith.constant dense<2147483647> : vector<1024xi32>
    %reduce_min3A_26 = vector.multi_reduction <minsi>, %select_n3A, %reduce_min3A_25 [1] : vector<1024x1024xi32> to vector<1024xi32>
    %swap3A = arith.constant 0 : index
    %swap3A_27 = arith.constant 0 : index
    %swap3A_28 = arith.constant 0 : index
    %swap3A_29 = vector.load %arg3[%swap3A, %swap3A_27, %swap3A_28] : memref<1x1x1024xi32, #tpu.memory_space<vmem>>, vector<1x1x1024xi32>
    %swap3A_30 = vector.shape_cast %swap3A_29 : vector<1x1x1024xi32> to vector<1024xi32>
    %swap3A_31 = vector.shape_cast %reduce_min3A_26 : vector<1024xi32> to vector<1x1x1024xi32>
    tpu.vector_store %arg3[%swap3A, %swap3A_27, %swap3A_28], %swap3A_31 {strides = array<i32>} : memref<1x1x1024xi32, #tpu.memory_space<vmem>>, vector<1x1x1024xi32>,
    %reduce_sum3A_32 = vector.shape_cast %broadcast_in_dim3A_21 : vector<1024x1xf32> to vector<1x1024x1xf32>
    %reduce_sum3A_33 = arith.constant dense<0.000000e+00> : vector<1xf32>
    %reduce_sum3A_34 = vector.multi_reduction <add>, %reduce_sum3A_32, %reduce_sum3A_33 [1, 2] : vector<1x1024x1xf32> to vector<1xf32>
    %reduce_sum3A_35 = vector.shape_cast %reduce_sum3A_34 : vector<1xf32> to vector<1x1x1xf32>
    %reduce_sum3A_36 = vector.extract %reduce_sum3A_35[0, 0, 0] : f32 from vector<1x1x1xf32>
    %eq3A_37 = arith.constant 0 : i32
    %eq3A_38 = arith.cmpi eq, %arg0, %eq3A_37 : i32
    %convert_element_type3A_39 = arith.extui %eq3A_38 : i1 to i32
    %cond3A_40 = arith.constant 0 : i32
    %cond3A_41 = arith.cmpi ne, %convert_element_type3A_39, %cond3A_40 : i32
    scf.if %cond3A_41 {
      %swap3A_51 = arith.constant 0 : index
      %swap3A_52 = memref.load %arg6[%swap3A_51] : memref<1xf32, #tpu.memory_space<smem>>
      memref.store %reduce_sum3A_36, %arg6[%swap3A_51] : memref<1xf32, #tpu.memory_space<smem>>
    } else {
    }
    %gt3A = arith.constant 0 : i32
    %gt3A_42 = arith.cmpi sgt, %arg0, %gt3A : i32
    %convert_element_type3A_43 = arith.extui %gt3A_42 : i1 to i32
    %cond3A_44 = arith.constant 0 : i32
    %cond3A_45 = arith.cmpi ne, %convert_element_type3A_43, %cond3A_44 : i32
    scf.if %cond3A_45 {
      %get3A_51 = arith.constant 0 : index
      %get3A_52 = memref.load %arg6[%get3A_51] : memref<1xf32, #tpu.memory_space<smem>>
      %add3A_53 = arith.addf %get3A_52, %reduce_sum3A_36 : f32
      %swap3A_54 = arith.constant 0 : index
      %swap3A_55 = memref.load %arg6[%swap3A_54] : memref<1xf32, #tpu.memory_space<smem>>
      memref.store %add3A_53, %arg6[%swap3A_54] : memref<1xf32, #tpu.memory_space<smem>>
    } else {
    }
    %eq3A_46 = arith.constant 15 : i32
    %eq3A_47 = arith.cmpi eq, %arg0, %eq3A_46 : i32
    %convert_element_type3A_48 = arith.extui %eq3A_47 : i1 to i32
    %cond3A_49 = arith.constant 0 : i32
    %cond3A_50 = arith.cmpi ne, %convert_element_type3A_48, %cond3A_49 : i32
    scf.if %cond3A_50 {
      %get3A_51 = arith.constant 0 : index
      %get3A_52 = memref.load %arg6[%get3A_51] : memref<1xf32, #tpu.memory_space<smem>>
      %mul3A_53 = arith.constant 1.250000e+00 : f32
      %mul3A_54 = arith.mulf %mul3A_53, %get3A_52 : f32
      %div3A = arith.constant 0x49800000 : f32
      %div3A_55 = arith.divf %mul3A_54, %div3A : f32
      %iota3A_56 = tpu.iota {dimensions = array<i32: 1>} : vector<1x128xi32>
      %eq3A_57 = arith.constant 0 : i32
      %eq3A_58 = vector.broadcast %eq3A_57 : i32 to vector<1x128xi32>
      %eq3A_59 = arith.cmpi eq, %iota3A_56, %eq3A_58 : vector<1x128xi32>
      %jit3A_60 = arith.constant 0.000000e+00 : f32
      %broadcast_in_dim3A_61 = vector.broadcast %div3A_55 : f32 to vector<1x128xf32>
      %broadcast_in_dim3A_62 = vector.broadcast %jit3A_60 : f32 to vector<1x128xf32>
      %select_n3A_63 = arith.select %eq3A_59, %broadcast_in_dim3A_61, %broadcast_in_dim3A_62 : vector<1x128xi1>, vector<1x128xf32>
      %swap3A_64 = arith.constant 0 : index
      %swap3A_65 = arith.constant 0 : index
      %swap3A_66 = vector.load %arg5[%swap3A_64, %swap3A_65] : memref<1x128xf32, #tpu.memory_space<vmem>>, vector<1x128xf32>
      tpu.vector_store %arg5[%swap3A_64, %swap3A_65], %select_n3A_63 {strides = array<i32>} : memref<1x128xf32, #tpu.memory_space<vmem>>, vector<1x128xf32>,
    } else {
    }
    return
  }
  func.func @transform_0(%arg0: i32) -> (i32, i32, i32) {
    %c0_i32 = arith.constant 0 : i32
    %c0_i32_0 = arith.constant 0 : i32
    %c0_i32_1 = arith.constant 0 : i32
    return %arg0, %c0_i32, %c0_i32_0 : i32, i32, i32
  }
  func.func @transform_1(%arg0: i32) -> (i32, i32) {
    %c0_i32 = arith.constant 0 : i32
    %c0_i32_0 = arith.constant 0 : i32
    %c0_i32_1 = arith.constant 0 : i32
    return %c0_i32, %c0_i32_0 : i32, i32
  }
  func.func @transform_2(%arg0: i32) -> (i32, i32, i32) {
    %c0_i32 = arith.constant 0 : i32
    %c0_i32_0 = arith.constant 0 : i32
    %c0_i32_1 = arith.constant 0 : i32
    return %arg0, %c0_i32, %c0_i32_0 : i32, i32, i32
  }
  func.func @transform_3(%arg0: i32) -> (i32, i32) {
    %c0_i32 = arith.constant 0 : i32
    %c0_i32_0 = arith.constant 0 : i32
    %c0_i32_1 = arith.constant 0 : i32
    return %c0_i32, %c0_i32_0 : i32, i32
  }
  func.func @transform_4(%arg0: i32) -> (i32, i32) {
    %c0_i32 = arith.constant 0 : i32
    %c0_i32_0 = arith.constant 0 : i32
    %c0_i32_1 = arith.constant 0 : i32
    return %c0_i32, %c0_i32_0 : i32, i32
  }
}

module attributes {stable_mosaic.version = 14 : i64} {
  func.func @_tc_epi(%arg0: memref<2x1024xf32, #tpu.memory_space<vmem>>, %arg1: memref<1x128xf32, #tpu.memory_space<vmem>>) attributes {dimension_semantics = [], scalar_prefetch = 0 : i64, scratch_operands = 0 : i64, tpu.core_type = #tpu.core_type<tc>} {
    %get3A = arith.constant 0 : index
    %get3A_0 = arith.constant 0 : index
    %get3A_1 = vector.load %arg0[%get3A, %get3A_0] : memref<2x1024xf32, #tpu.memory_space<vmem>>, vector<1x1024xf32>
    %get3A_2 = vector.shape_cast %get3A_1 : vector<1x1024xf32> to vector<1024xf32>
    %get3A_3 = arith.constant 1 : index
    %get3A_4 = arith.constant 0 : index
    %get3A_5 = vector.load %arg0[%get3A_3, %get3A_4] : memref<2x1024xf32, #tpu.memory_space<vmem>>, vector<1x1024xf32>
    %get3A_6 = vector.shape_cast %get3A_5 : vector<1x1024xf32> to vector<1024xf32>
    %add3A = arith.addf %get3A_2, %get3A_6 : vector<1024xf32>
    %div3A = arith.constant 1.638400e+04 : f32
    %div3A_7 = vector.broadcast %div3A : f32 to vector<1024xf32>
    %div3A_8 = arith.divf %add3A, %div3A_7 : vector<1024xf32>
    %add3A_9 = arith.constant 1.000000e-10 : f32
    %add3A_10 = vector.broadcast %add3A_9 : f32 to vector<1024xf32>
    %add3A_11 = arith.addf %div3A_8, %add3A_10 : vector<1024xf32>
    %log3A = math.log %add3A_11 : vector<1024xf32>
    %mul3A = arith.mulf %div3A_8, %log3A : vector<1024xf32>
    %reduce_sum3A = vector.shape_cast %mul3A : vector<1024xf32> to vector<1x1024xf32>
    %reduce_sum3A_12 = arith.constant dense<0.000000e+00> : vector<1xf32>
    %reduce_sum3A_13 = vector.multi_reduction <add>, %reduce_sum3A, %reduce_sum3A_12 [1] : vector<1x1024xf32> to vector<1xf32>
    %reduce_sum3A_14 = vector.shape_cast %reduce_sum3A_13 : vector<1xf32> to vector<1x1xf32>
    %reduce_sum3A_15 = vector.extract %reduce_sum3A_14[0, 0] : f32 from vector<1x1xf32>
    %neg3A = arith.constant 0.000000e+00 : f32
    %neg3A_16 = arith.subf %neg3A, %reduce_sum3A_15 : f32
    %exp3A = math.exp %neg3A_16 : f32
    %iota3A = tpu.iota {dimensions = array<i32: 1>} : vector<1x128xi32>
    %eq3A = arith.constant 0 : i32
    %eq3A_17 = vector.broadcast %eq3A : i32 to vector<1x128xi32>
    %eq3A_18 = arith.cmpi eq, %iota3A, %eq3A_17 : vector<1x128xi32>
    %jit3A = arith.constant 0.000000e+00 : f32
    %broadcast_in_dim3A = vector.broadcast %exp3A : f32 to vector<1x128xf32>
    %broadcast_in_dim3A_19 = vector.broadcast %jit3A : f32 to vector<1x128xf32>
    %select_n3A = arith.select %eq3A_18, %broadcast_in_dim3A, %broadcast_in_dim3A_19 : vector<1x128xi1>, vector<1x128xf32>
    %swap3A = arith.constant 0 : index
    %swap3A_20 = arith.constant 0 : index
    %swap3A_21 = vector.load %arg1[%swap3A, %swap3A_20] : memref<1x128xf32, #tpu.memory_space<vmem>>, vector<1x128xf32>
    tpu.vector_store %arg1[%swap3A, %swap3A_20], %select_n3A {strides = array<i32>} : memref<1x128xf32, #tpu.memory_space<vmem>>, vector<1x128xf32>,
    return
  }
}

</mosaic_0001>

<sc_bundles>
// kernel: kernel.5.cloned.1.call-start
scs
__scs_entry_jumppad:
0x0: {  	(pc) =	sbr.rel $0x88, $3  }
0x1: {  	(tag) =	ssettag $0x0;
	lr =	simm.s32 $0x1  }
0x2: {  	[smem:$0x3F9F] =	sst lr;
	_ =	strace $0xD0000000  }
0x3: {  	_ = 	snop  }
0x4: {  	_ = 	snop  }
0x5: {  	_ = 	snop  }
0x6: {  	_ = 	snop  }
0x7: {  	_ = 	snop  }
__scs_overlays_trampoline_lowered:
0x8: {  	[smem:$0x3FAE] =	sst s0  }
0x9: {  	[smem:$0x3FAF] =	sst s1  }
0xa: {  	[smem:$0x3FB0] =	sst s2  }
0xb: {  	[smem:$0x3FB1] =	sst s3  }
0xc: {  	[smem:$0x3FB2] =	sst s4  }
0xd: {  	[smem:$0x3FB3] =	sst s5  }
0xe: {  	[smem:$0x3FB4] =	sst s6  }
0xf: {  	[smem:$0x3FB5] =	sst s7  }
0x10: {  	[smem:$0x3FB6] =	sst s8  }
0x11: {  	[smem:$0x3FB7] =	sst s9;
	s0 =	simm.s32 @!p0 $0x0  }
0x12: {  	s1 =	sld [smem:$0x3F9D];
	s0 =	simm.s32 @p0 $0x1  }
0x13: {  	[smem:$0x3FB8] =	sst s0;
	s0 =	simm.s32 @!p1 $0x0  }
0x14: {  	s2 =	sld [smem:$0x3F9C];
	s0 =	simm.s32 @p1 $0x1  }
0x15: {  	[smem:$0x3FB9] =	sst s0;
	s0 =	simm.s32 @!p2 $0x0  }
0x16: {  	s3 =	sld [smem:$0x3FDB];
	s0 =	simm.s32 @p2 $0x1  }
0x17: {  	s4 =	simm.s32 $0x1BF5;
	[smem:$0x3FBB] =	sst s0  }
0x18: {  	s0 =	sld [smem:$0x3F9E];
	_ =	swait.ge [sflag:s4], $0x0  }
0x19: {  	s7 =	sld [smem:$0x3F9F]  }
0x1a: {  	s8 =	sadd.s32 $0xFFFFE003, lr  }
0x1b: {  	s9 =	sadd.s32 $0xFFFFFEF7, lr;
	s5 =	simm.s32 $0xFFFFFFFF;
	p2 =	slt.u32 s8, $0xFFFFF086  }
0x1c: {  	p1 =	slt.u32 s9, $0xF7A;
	s5 =	simm.s32 @!p2 $0x0  }
0x1d: {  	s5 =	simm.s32 @p1 $0x1;
	p0 =	seq.s32 s7, s2  }
0x1e: {  	s7 =	smul.u32 @!p0 $0xF7A, s2;
	p2 =	seq.s32 @!p0 s5, $0x0  }
0x1f: {  	s9 =	smul.u32 $0xF7A, s1;
	s8 =	simm.s32 @!p0 $0x1BF5;
	p2 =	por !p2, p0  }
0x20: {  	[sflag:s8] =	ssyncset.s32 @!p0 $0xFFFFF086;
	s6 =	sadd.s32 @!p0 s3, s7;
	s7 =	simm.s32 @!p0 $0x108  }
0x21: {  	s3 =	sadd.s32 s3, s9;
	s6 =	sadd.s32 @!p0 $0x88, s6;
	s7 =	simm.s32 @p2 $0x1082  }
0x22: {  	[simem:s7], [sflag:s8] =	dma.local @!p0 [hbm:s6], $0xF7A  }
0x23: {  	s9 =	sor.u32 $0xD0000000, s2;
	s6 =	simm.s32 $0x108;
	_ =	swait.ge @!p0 [sflag:s8], $0x0  }
0x24: {  	s3 =	sadd.s32 $0x88, s3;
	s6 =	simm.s32 @!p1 $0x1082;
	[sflag:s4] =	ssyncset.s32 $0xFFFFF086  }
0x25: {  	[simem:s6], [sflag:s4] =	dma.local [hbm:s3], $0xF7A  }
0x26: {  	[smem:$0x3F9F] =	sst s1;
	(tag) =	ssettag s2;
	_ =	strace s9  }
0x27: {  	s1 =	sld [smem:$0x3FAF]  }
0x28: {  	s2 =	sld [smem:$0x3FB0]  }
0x29: {  	s4 =	sld [smem:$0x3FB2]  }
0x2a: {  	p0 =	seq.s32 s5, $0x0;
	s5 =	sld [smem:$0x3FB3]  }
0x2b: {  	s6 =	sld [smem:$0x3FB4]  }
0x2c: {  	s7 =	sld [smem:$0x3FB5]  }
0x2d: {  	s3 =	simm.s32 $0x108;
	s8 =	sld [smem:$0x3FB6]  }
0x2e: {  	s3 =	simm.s32 @!p0 $0x1082;
	s9 =	sld [smem:$0x3FB7]  }
0x2f: {  	lr =	sadd.s32 s0, s3;
	s0 =	sld [smem:$0x3FAE]  }
0x30: {  	s3 =	sld [smem:$0x3FB1]  }
0x31: {  	[smem:$0x3FBA] =	sst s10  }
0x32: {  	s10 =	sld [smem:$0x3FB8];
	_ =	sdelay $0x3  }
0x33: {  	p0 =	seq.s32 s10, $0x1;
	s10 =	sld [smem:$0x3FBA];
	_ =	sdelay $0x3  }
0x34: {  	[smem:$0x3FBA] =	sst s10  }
0x35: {  	s10 =	sld [smem:$0x3FB9];
	_ =	sdelay $0x3  }
0x36: {  	p1 =	seq.s32 s10, $0x1;
	s10 =	sld [smem:$0x3FBA];
	_ =	sdelay $0x3  }
0x37: {  	[smem:$0x3FBA] =	sst s10  }
0x38: {  	s10 =	sld [smem:$0x3FBB]  }
0x39: {  	_ = 	snop;
	(pc) =	sbr.ind lr, $3  }
0x3a: {  	_ = 	snop  }
0x3b: {  	_ = 	snop  }
0x3c: {  	p2 =	seq.s32 s10, $0x1;
	s10 =	sld [smem:$0x3FBA]  }
0x3d: {  	_ =	shalt  }
0x3e: {  	_ =	shalt  }
0x3f: {  	_ =	shalt  }
0x40: {  	_ =	shalt  }
0x41: {  	_ =	shalt  }
0x42: {  	_ =	shalt  }
0x43: {  	_ =	shalt  }
0x44: {  	_ =	shalt  }
0x45: {  	_ =	shalt  }
0x46: {  	_ =	shalt  }
0x47: {  	_ =	shalt  }
0x48: {  	_ =	shalt  }
0x49: {  	_ =	shalt  }
0x4a: {  	_ =	shalt  }
0x4b: {  	_ =	shalt  }
0x4c: {  	_ =	shalt  }
0x4d: {  	_ =	shalt  }
0x4e: {  	_ =	shalt  }
0x4f: {  	_ =	shalt  }
0x50: {  	_ =	shalt  }
0x51: {  	_ =	shalt  }
0x52: {  	_ =	shalt  }
0x53: {  	_ =	shalt  }
0x54: {  	_ =	shalt  }
0x55: {  	_ =	shalt  }
0x56: {  	_ =	shalt  }
0x57: {  	_ =	shalt  }
0x58: {  	_ =	shalt  }
0x59: {  	_ =	shalt  }
0x5a: {  	_ =	shalt  }
0x5b: {  	_ =	shalt  }
0x5c: {  	_ =	shalt  }
0x5d: {  	_ =	shalt  }
0x5e: {  	_ =	shalt  }
0x5f: {  	_ =	shalt  }
0x60: {  	_ =	shalt  }
0x61: {  	_ =	shalt  }
0x62: {  	_ =	shalt  }
0x63: {  	_ =	shalt  }
0x64: {  	_ =	shalt  }
0x65: {  	_ =	shalt  }
0x66: {  	_ =	shalt  }
0x67: {  	_ =	shalt  }
0x68: {  	_ =	shalt  }
0x69: {  	_ =	shalt  }
0x6a: {  	_ =	shalt  }
0x6b: {  	_ =	shalt  }
0x6c: {  	_ =	shalt  }
0x6d: {  	_ =	shalt  }
0x6e: {  	_ =	shalt  }
0x6f: {  	_ =	shalt  }
0x70: {  	_ =	shalt  }
0x71: {  	_ =	shalt  }
0x72: {  	_ =	shalt  }
0x73: {  	_ =	shalt  }
0x74: {  	_ =	shalt  }
0x75: {  	_ =	shalt  }
0x76: {  	_ =	shalt  }
0x77: {  	_ =	shalt  }
0x78: {  	_ =	shalt  }
0x79: {  	_ =	shalt  }
0x7a: {  	_ =	shalt  }
0x7b: {  	_ =	shalt  }
0x7c: {  	_ =	shalt  }
0x7d: {  	_ =	shalt  }
0x7e: {  	_ =	shalt  }
0x7f: {  	_ =	shalt  }
0x80: {  	_ =	shalt  }
0x81: {  	_ =	shalt  }
0x82: {  	_ =	shalt  }
0x83: {  	_ =	shalt  }
0x84: {  	_ =	shalt  }
0x85: {  	_ =	shalt  }
0x86: {  	_ =	shalt  }
0x87: {  	_ =	shalt  }
.Lfunc_end0:
.L_simem_size_0:
called_computation_lowered:
.L_overlay_start_0:
0x88: {  	s2 =	sld [smem:$0x3FD9]  }
0x89: {  	s3 =	sld [smem:$0x3FFE];
	_ =	sdelay $0x1  }
0x8a: {  	s1 =	srdreg.scid  }
0x8b: {  	s0 =	sand.u32 $0x1, s1  }
0x8c: {  	s14 =	sshll.u32 s0, $0xA;
	s2 =	sadd.s32 s3, s2  }
0x8d: {  	s2 =	sadd.s32 s2, s14  }
0x8e: {  	[smem:$0x3FC6] =	sst s2  }
0x8f: {  	_ = 	snop  }
0x90: {  	s2 =	sld [smem:$0x3FD0];
	_ =	sdelay $0x2  }
0x91: {  	s15 =	simm.s32 $0xA;
	s4 =	simm.s32 $0x10  }
0x92: {  	[smem:s4], [sflag:s15] =	dma.local [hbm:s2], $0x1  }
0x93: {  	_ =	swait.eq [sflag:s15], $0x1  }
0x94: {  	[sflag:s15] =	ssyncset.done $0x0  }
0x95: {  	s16 =	sld [smem:$0x10];
	[sflag:s15] =	ssyncadd.s32 $0xFFFFFFFF  }
0x96: {  	s17 =	sld [smem:$0x13];
	(tm) =	ssettm $0x1  }
0x97: {  	s18 =	sld [smem:$0x3FFB];
	_ =	sdelay $0x3  }
0x98: {  	_ =	strace s18  }
0x99: {  	s4 =	sld [smem:$0x3FFC];
	_ =	sdelay $0x3  }
0x9a: {  	_ =	strace s4  }
0x9b: {  	s4 =	sld [smem:$0x3FFD];
	_ =	sdelay $0x3  }
0x9c: {  	_ =	strace s4  }
0x9d: {  	_ =	strace $0x8FFFFFFF  }
0x9e: {  	s19 =	sld [smem:$0x3FDB];
	_ =	sdelay $0x1  }
0x9f: {  	s5 =	simm.s32 $_scs_section_size  }
0xa0: {  	s6 =	simm.s32 $_size__tile_overlayer_lowered;
	s7 =	simm.s32 $_tile_overlayer_lowered  }
0xa1: {  	s22 =	simm.s32 $0x1BFF;
	s21 =	sshll.u32 s7, $0x1;
	s4 =	sadd.s32 s5, s19  }
0xa2: {  	s8 =	simm.s32 $0x0;
	s20 =	sshll.u32 s6, $0x1;
	s6 =	sadd.s32 s21, s4  }
0xa3: {  	[timem:s8], [sflag:s22] =	dma.local [hbm:s6], s20  }
0xa4: {  	_ =	swait.ge [sflag:s22], s20  }
0xa5: {  	s5 =	ssub.s32 $0x0, s20;
	[sflag:s22] =	ssyncset.done $0x0  }
0xa6: {  	[sflag:s22] =	ssyncadd.s32 s5;
	_ =	sdelay $0x1  }
0xa7: {  	s23 =	simm.s32 $0x1B8B  }
0xa8: {  	_ =	swait.ge [sflag:s23], $0x1  }
0xa9: {  	[sflag:s23] =	ssyncset.done $0x0  }
0xaa: {  	s25 =	simm.s32 $0x1B8E;
	s24 =	sld [smem:$0x3FFE];
	[sflag:s23] =	ssyncadd.s32 $0xFFFFFFFF  }
0xab: {  	s26 =	simm.s32 $execute0_lowered;
	[smem:$0x3FD2] =	sst s25  }
0xac: {  	s6 =	sshll.u32 s26, $0x1;
	_ =	strace $0x80000046;
	[dreg:$0x1] =	wrdreg $0xFFFFFFFF  }
0xad: {  	s28 =	simm.s32 $_size_execute0_lowered;
	s4 =	sadd.s32 s4, s6;
	[dreg:$0x0] =	wrdreg $0x0  }
0xae: {  	s6 =	sshll.u32 s28, $0x1;
	[dreg:$0x2] =	wrdreg s4  }
0xaf: {  	[dreg:$0x3] =	wrdreg s6  }
0xb0: {  	[dreg:$0x4] =	wrdreg $0xC0  }
0xb1: {  	_ =	task [dreg:s8], $0x5FFFF  }
0xb2: {  	[dreg:$0x1] =	wrdreg $0xFFFFFFFF  }
0xb3: {  	[dreg:$0x0] =	wrdreg $0x60  }
0xb4: {  	[dreg:$0x2] =	wrdreg s16  }
0xb5: {  	[dreg:$0x3] =	wrdreg s17  }
0xb6: {  	[dreg:$0x4] =	wrdreg s24  }
0xb7: {  	[dreg:$0x5] =	wrdreg $0x188000  }
0xb8: {  	[dreg:$0x6] =	wrdreg $0x9  }
0xb9: {  	_ =	task.clear_ibuf [dreg:s8], $0x7FFFF;
	_ =	strace $0x90000046  }
0xba: {  	s29 =	simm.s32 $0x9;
	_ =	strace $0x80000048  }
0xbb: {  	_ =	swait.ge [sflag:s29], $0x1  }
0xbc: {  	[sflag:s29] =	ssyncadd.s32 $0xFFFFFFFF  }
0xbd: {  	_ =	strace $0x90000048  }
0xbe: {  	_ =	sfence  }
0xbf: {  	s30 =	sld [smem:$0x0];
	_ =	sdelay $0x2  }
0xc0: {  	s31 =	sshll.u32 s1, $0xD;
	s1 =	sshrl.u32 s1, $0x2  }
0xc1: {  	s3 =	sand.u32 $0x4000, s31;
	s1 =	sadd.s32 s1, s30  }
0xc2: {  	s0 =	sor.u32 s3, s0;
	s1 =	sshll.u32 s1, $0x11  }
0xc3: {  	s0 =	sor.u32 s1, s0  }
0xc4: {  	s0 =	sadd.s32 $0x8F2B, s0  }
0xc5: {  	[sflag:s0] =	ssyncadd.remote.s32 $0x1  }
0xc6: {  	_ =	sfence.sel $0xFFFF  }
0xc7: {  	[dreg:$0x0] =	wrdreg $0xFFFFFFFF;
	(pc) =	sbr.abs _section_cstart, $3  }
0xc8: {  	[dreg:$0x1] =	wrdreg $0xFFFFFFFF  }
0xc9: {  	_ =	task.clear_ibuf [dreg:s8], $0x2FFFF;
	_ =	strace $0x9FFFFFFF  }
0xca: {  	(tm) =	ssettm $0x7FFFFFFF  }
0xcb: {  	_ =	shalt  }
tec
execute0_lowered:
.L_overlay_start_1:
0x0: {  	(tag) =	ssettag $0x1  }
0x1: {  	s0 =	srdreg.scid;
	s7 =	rddreg [dreg:$0x1]  }
0x2: {  	s10 =	stileid.u32;
	s8 =	rddreg [dreg:$0x2]  }
0x3: {  	s2 =	rddreg [dreg:$0x3];
	s5 =	sand.u32 $0x1, s0;
	s30 =	sshll.u32 s10, $0x1  }
0x4: {  	s3 =	simm.s32 $0x1;
	s1 =	rddreg [dreg:$0x4];
	s6 =	sor.u32 s5, s30  }
0x5: {  	s12 =	simm.s32 $0x10200;
	p1 =	seq.s32 s5, $0x1;
	p0 =	seq.s32 s6, $0x0  }
0x6: {  	s13 =	simm.s32 $0x18200;
	s14 =	simm.s32 $0x0;
	p0 =	por !p0, !p1  }
0x7: {  	s0 =	rddreg [dreg:$0x0];
	s9 =	sshll.u32 s5, $0xC;
	p0 =	por !p0, !p0  }
0x8: {  	s11 =	sshll.u32 s5, $0x4;
	s5 =	ssub.s32 $0x2, s5;
	s3 =	simm.s32 @!p0 $0x0  }
0x9: {  	s31 =	sshrl.u32 s5, $0x1;
	s6 =	sshll.u32 s6, $0x6;
	s4 =	ssub.s32 s10, s3  }
0xa: {  	p0 =	sne.s32 s10, $0x0;
	s3 =	simm.s32 $0x0;
	s4 =	sshll.u32 s4, $0x10  }
0xb: {  	s10 =	simm.s32 $0x1000;
	[smem:$0x7FF] =	sst s3;
	s9 =	sor.u32 s9, s4  }
0xc: {  	_ =	strace $0x80000047;
	s4 =	simm.s32 $0x1;
	s9 =	sshrl.u32 s9, $0x3  }
0xd: {  	s9 =	sadd.s32 s9, s8;
	s8 =	sadd.s32 s11, s8;
	s11 =	ssub.s32 s5, s31  }
0xe: {  	s5 =	sadd.s32 s7, s6;
	s6 =	sadd.s32 $0xE00, s9;
	s7 =	sadd.s32 $0xC00, s8  }
0xf: {  	v0 =	vimm.f32 $0.0e+00;
	v1 =	vimm.f32 $1.000000000e+00;
	s8 =	smax.u32 s11, $0x1;
	s9 =	simm.s32 $0x200;
	s11 =	simm.s32 $0x2000  }
.LBB2_1:
0x10: {  	[tilespmem:s3], [sflag:$0x1] =	stream.linear.gather [hbm4b:s5+s3], $0x200, $0x38;
	[tilespmem:$0x18840] =	vst v63  }
0x11: {  	_ =	swait.ge [sflag:s4], $0x200  }
0x12: {  	[sflag:s4] =	ssyncset.done $0x0  }
0x13: {  	[sflag:s4] =	ssyncadd.s32 $0xFFFFFE00  }
0x14: {  	[tilespmem:s9], [sflag:$0x1] =	stream.linear.gather [hbm4b:s0+s3], $0x10000, $0x38;
	[tilespmem:$0x18840] =	vst v63  }
0x15: {  	_ =	swait.ge [sflag:s4], $0x10000  }
0x16: {  	[sflag:s4] =	ssyncset.done $0x0  }
0x17: {  	s15 =	simm.s32 $0x40;
	s16 =	simm.s32 $0x0;
	[sflag:s4] =	ssyncadd.s32 $0xFFFF0000  }
.LBB2_2:
0x18: {  	p1 =	sne.s32 s15, $0xFC0;
	[tilespmem:s16+$0x18400] =	vst v0;
	s16 =	smov.u32 s15;
	s15 =	sadd.s32 $0x40, s15  }
.Ltmp0:
0x19: {  	(pc) =	sbr.rel @p1 .LBB2_2-.Ltmp0, $2  }
0x1a: {  	_ =	sdelay $0x2  }
0x1b: {  	s16 =	sshra.s32 s16, $0x2  }
0x1c: {  	[tilespmem:s16+$0x18400] =	vst v0;
	s15 =	simm.s32 @!p0 $0x18400  }
0x1d: {  	[spmem:s2] =	stream.linear.scatter @!p0 [tilespmem:s15], [sflag:$0x1], $0x400, $0x38;
	[tilespmem:$0x18840] =	vst v63  }
0x1e: {  	s15 =	simm.s32 @!p0 $0x1  }
0x1f: {  	_ =	swait.ge @!p0 [sflag:s15], $0x400  }
0x20: {  	s16 =	simm.s32 $0x18200;
	s17 =	simm.s32 $0x0;
	[sflag:s15] =	ssyncset.done @!p0 $0x0  }
0x21: {  	s18 =	simm.s32 $0x0;
	[sflag:s15] =	ssyncadd.s32 @!p0 $0xFFFFFC00;
	s15 =	simm.s32 $0x0  }
.LBB2_4:
0x22: {  	v2 =	vld [tilespmem:s15+$0x0];
	_ =	sdelay $0x6  }
0x23: {  	[tilespmem:s16+$0x0] =	vst v1  }
0x24: {  	v3 =	vld.idx.msk [tilespmem:v2+s9+$0x0], $0xffff  }
0x25: {  	v4 =	vadd.s32 $0x400, v2;
	_ =	sdelay $0x1  }
0x26: {  	s19 =	sand.u32 $0x70, s18;
	s20 =	sand.u32 $0xC00, s17  }
0x27: {  	s19 =	sor.u32 s19, s20  }
0x28: {  	[tilespmem:s19+$0x10200] =	vst v3  }
0x29: {  	v3 =	vld.idx.msk [tilespmem:v4+s9+$0x0], $0xffff  }
0x2a: {  	v59 =	vadd.s32 $0x800, v2;
	_ =	sdelay $0x3  }
0x2b: {  	[tilespmem:s19+$0x10280] =	vst v3  }
0x2c: {  	v3 =	vld.idx.msk [tilespmem:v59+s9+$0x0], $0xffff  }
0x2d: {  	v60 =	vadd.s32 $0xC00, v2;
	_ =	sdelay $0x3  }
0x2e: {  	[tilespmem:s19+$0x10300] =	vst v3  }
0x2f: {  	v3 =	vld.idx.msk [tilespmem:v60+s9+$0x0], $0xffff  }
0x30: {  	v61 =	vadd.s32 $0x1000, v2;
	_ =	sdelay $0x3  }
0x31: {  	[tilespmem:s19+$0x10380] =	vst v3  }
0x32: {  	v3 =	vld.idx.msk [tilespmem:v61+s9+$0x0], $0xffff  }
0x33: {  	v62 =	vadd.s32 $0x1400, v2;
	_ =	sdelay $0x3  }
0x34: {  	[tilespmem:s19+$0x10400] =	vst v3  }
0x35: {  	v3 =	vld.idx.msk [tilespmem:v62+s9+$0x0], $0xffff  }
0x36: {  	v63 =	vadd.s32 $0x1800, v2;
	_ =	sdelay $0x3  }
0x37: {  	[tilespmem:s19+$0x10480] =	vst v3  }
0x38: {  	v3 =	vld.idx.msk [tilespmem:v63+s9+$0x0], $0xffff  }
0x39: {  	v8 =	vadd.s32 $0x1C00, v2;
	_ =	sdelay $0x3  }
0x3a: {  	[tilespmem:s19+$0x10500] =	vst v3  }
0x3b: {  	v3 =	vld.idx.msk [tilespmem:v8+s9+$0x0], $0xffff  }
0x3c: {  	v9 =	vadd.s32 $0x2000, v2;
	_ =	sdelay $0x1  }
0x3d: {  	s31 =	sor.u32 s17, s18  }
0x3e: {  	s20 =	sor.u32 $0x380, s31  }
0x3f: {  	[tilespmem:s20+$0x10200] =	vst v3  }
0x40: {  	v3 =	vld.idx.msk [tilespmem:v9+s9+$0x0], $0xffff  }
0x41: {  	v10 =	vadd.s32 $0x2400, v2;
	_ =	sdelay $0x3  }
0x42: {  	[tilespmem:s19+$0x11200] =	vst v3  }
0x43: {  	v3 =	vld.idx.msk [tilespmem:v10+s9+$0x0], $0xffff  }
0x44: {  	v11 =	vadd.s32 $0x2800, v2;
	_ =	sdelay $0x3  }
0x45: {  	[tilespmem:s19+$0x11280] =	vst v3  }
0x46: {  	v3 =	vld.idx.msk [tilespmem:v11+s9+$0x0], $0xffff  }
0x47: {  	v12 =	vadd.s32 $0x2C00, v2;
	_ =	sdelay $0x3  }
0x48: {  	[tilespmem:s19+$0x11300] =	vst v3  }
0x49: {  	v3 =	vld.idx.msk [tilespmem:v12+s9+$0x0], $0xffff  }
0x4a: {  	v13 =	vadd.s32 $0x3000, v2;
	_ =	sdelay $0x3  }
0x4b: {  	[tilespmem:s19+$0x11380] =	vst v3  }
0x4c: {  	v3 =	vld.idx.msk [tilespmem:v13+s9+$0x0], $0xffff  }
0x4d: {  	v14 =	vadd.s32 $0x3400, v2;
	_ =	sdelay $0x3  }
0x4e: {  	[tilespmem:s19+$0x11400] =	vst v3  }
0x4f: {  	v3 =	vld.idx.msk [tilespmem:v14+s9+$0x0], $0xffff  }
0x50: {  	v15 =	vadd.s32 $0x3800, v2;
	_ =	sdelay $0x3  }
0x51: {  	[tilespmem:s19+$0x11480] =	vst v3  }
0x52: {  	v3 =	vld.idx.msk [tilespmem:v15+s9+$0x0], $0xffff  }
0x53: {  	v16 =	vadd.s32 $0x3C00, v2;
	_ =	sdelay $0x3  }
0x54: {  	[tilespmem:s19+$0x11500] =	vst v3  }
0x55: {  	v3 =	vld.idx.msk [tilespmem:v16+s9+$0x0], $0xffff  }
0x56: {  	v17 =	vadd.s32 $0x4000, v2;
	_ =	sdelay $0x3  }
0x57: {  	[tilespmem:s19+$0x11580] =	vst v3  }
0x58: {  	v3 =	vld.idx.msk [tilespmem:v17+s9+$0x0], $0xffff  }
0x59: {  	v18 =	vadd.s32 $0x4400, v2;
	_ =	sdelay $0x3  }
0x5a: {  	[tilespmem:s19+$0x12200] =	vst v3  }
0x5b: {  	v3 =	vld.idx.msk [tilespmem:v18+s9+$0x0], $0xffff  }
0x5c: {  	v19 =	vadd.s32 $0x4800, v2;
	_ =	sdelay $0x3  }
0x5d: {  	[tilespmem:s19+$0x12280] =	vst v3  }
0x5e: {  	v3 =	vld.idx.msk [tilespmem:v19+s9+$0x0], $0xffff  }
0x5f: {  	v20 =	vadd.s32 $0x4C00, v2;
	_ =	sdelay $0x3  }
0x60: {  	[tilespmem:s19+$0x12300] =	vst v3  }
0x61: {  	v3 =	vld.idx.msk [tilespmem:v20+s9+$0x0], $0xffff  }
0x62: {  	v21 =	vadd.s32 $0x5000, v2;
	_ =	sdelay $0x3  }
0x63: {  	[tilespmem:s19+$0x12380] =	vst v3  }
0x64: {  	v3 =	vld.idx.msk [tilespmem:v21+s9+$0x0], $0xffff  }
0x65: {  	v22 =	vadd.s32 $0x5400, v2;
	_ =	sdelay $0x3  }
0x66: {  	[tilespmem:s19+$0x12400] =	vst v3  }
0x67: {  	v3 =	vld.idx.msk [tilespmem:v22+s9+$0x0], $0xffff  }
0x68: {  	v23 =	vadd.s32 $0x5800, v2;
	_ =	sdelay $0x3  }
0x69: {  	[tilespmem:s19+$0x12480] =	vst v3  }
0x6a: {  	v3 =	vld.idx.msk [tilespmem:v23+s9+$0x0], $0xffff  }
0x6b: {  	v24 =	vadd.s32 $0x5C00, v2;
	_ =	sdelay $0x3  }
0x6c: {  	[tilespmem:s19+$0x12500] =	vst v3  }
0x6d: {  	v3 =	vld.idx.msk [tilespmem:v24+s9+$0x0], $0xffff  }
0x6e: {  	v25 =	vadd.s32 $0x6000, v2;
	_ =	sdelay $0x3  }
0x6f: {  	[tilespmem:s19+$0x12580] =	vst v3  }
0x70: {  	v3 =	vld.idx.msk [tilespmem:v25+s9+$0x0], $0xffff  }
0x71: {  	v26 =	vadd.s32 $0x6400, v2;
	_ =	sdelay $0x3  }
0x72: {  	[tilespmem:s19+$0x13200] =	vst v3  }
0x73: {  	v3 =	vld.idx.msk [tilespmem:v26+s9+$0x0], $0xffff  }
0x74: {  	v27 =	vadd.s32 $0x6800, v2;
	_ =	sdelay $0x3  }
0x75: {  	[tilespmem:s19+$0x13280] =	vst v3  }
0x76: {  	v3 =	vld.idx.msk [tilespmem:v27+s9+$0x0], $0xffff  }
0x77: {  	v28 =	vadd.s32 $0x6C00, v2;
	_ =	sdelay $0x3  }
0x78: {  	[tilespmem:s19+$0x13300] =	vst v3  }
0x79: {  	v3 =	vld.idx.msk [tilespmem:v28+s9+$0x0], $0xffff  }
0x7a: {  	v29 =	vadd.s32 $0x7000, v2;
	_ =	sdelay $0x3  }
0x7b: {  	[tilespmem:s19+$0x13380] =	vst v3  }
0x7c: {  	v3 =	vld.idx.msk [tilespmem:v29+s9+$0x0], $0xffff  }
0x7d: {  	v30 =	vadd.s32 $0x7400, v2;
	_ =	sdelay $0x3  }
0x7e: {  	[tilespmem:s19+$0x13400] =	vst v3  }
0x7f: {  	v3 =	vld.idx.msk [tilespmem:v30+s9+$0x0], $0xffff  }
0x80: {  	v31 =	vadd.s32 $0x7800, v2;
	_ =	sdelay $0x3  }
0x81: {  	[tilespmem:s19+$0x13480] =	vst v3  }
0x82: {  	v3 =	vld.idx.msk [tilespmem:v31+s9+$0x0], $0xffff  }
0x83: {  	v32 =	vadd.s32 $0x7C00, v2;
	_ =	sdelay $0x3  }
0x84: {  	[tilespmem:s19+$0x13500] =	vst v3  }
0x85: {  	v3 =	vld.idx.msk [tilespmem:v32+s9+$0x0], $0xffff  }
0x86: {  	v33 =	vadd.s32 $0x8000, v2;
	_ =	sdelay $0x3  }
0x87: {  	[tilespmem:s19+$0x13580] =	vst v3  }
0x88: {  	v3 =	vld.idx.msk [tilespmem:v33+s9+$0x0], $0xffff  }
0x89: {  	v34 =	vadd.s32 $0x8400, v2;
	_ =	sdelay $0x3  }
0x8a: {  	[tilespmem:s19+$0x14200] =	vst v3  }
0x8b: {  	v3 =	vld.idx.msk [tilespmem:v34+s9+$0x0], $0xffff  }
0x8c: {  	v35 =	vadd.s32 $0x8800, v2;
	_ =	sdelay $0x3  }
0x8d: {  	[tilespmem:s19+$0x14280] =	vst v3  }
0x8e: {  	v3 =	vld.idx.msk [tilespmem:v35+s9+$0x0], $0xffff  }
0x8f: {  	v36 =	vadd.s32 $0x8C00, v2;
	_ =	sdelay $0x3  }
0x90: {  	[tilespmem:s19+$0x14300] =	vst v3  }
0x91: {  	v3 =	vld.idx.msk [tilespmem:v36+s9+$0x0], $0xffff  }
0x92: {  	v37 =	vadd.s32 $0x9000, v2;
	_ =	sdelay $0x3  }
0x93: {  	[tilespmem:s19+$0x14380] =	vst v3  }
0x94: {  	v3 =	vld.idx.msk [tilespmem:v37+s9+$0x0], $0xffff  }
0x95: {  	v38 =	vadd.s32 $0x9400, v2;
	_ =	sdelay $0x3  }
0x96: {  	[tilespmem:s19+$0x14400] =	vst v3  }
0x97: {  	v3 =	vld.idx.msk [tilespmem:v38+s9+$0x0], $0xffff  }
0x98: {  	v39 =	vadd.s32 $0x9800, v2;
	_ =	sdelay $0x3  }
0x99: {  	[tilespmem:s19+$0x14480] =	vst v3  }
0x9a: {  	v3 =	vld.idx.msk [tilespmem:v39+s9+$0x0], $0xffff  }
0x9b: {  	v40 =	vadd.s32 $0x9C00, v2;
	_ =	sdelay $0x3  }
0x9c: {  	[tilespmem:s19+$0x14500] =	vst v3  }
0x9d: {  	v3 =	vld.idx.msk [tilespmem:v40+s9+$0x0], $0xffff  }
0x9e: {  	v41 =	vadd.s32 $0xA000, v2;
	_ =	sdelay $0x3  }
0x9f: {  	[tilespmem:s19+$0x14580] =	vst v3  }
0xa0: {  	v3 =	vld.idx.msk [tilespmem:v41+s9+$0x0], $0xffff  }
0xa1: {  	v42 =	vadd.s32 $0xA400, v2;
	_ =	sdelay $0x3  }
0xa2: {  	[tilespmem:s19+$0x15200] =	vst v3  }
0xa3: {  	v3 =	vld.idx.msk [tilespmem:v42+s9+$0x0], $0xffff  }
0xa4: {  	v43 =	vadd.s32 $0xA800, v2;
	_ =	sdelay $0x3  }
0xa5: {  	[tilespmem:s19+$0x15280] =	vst v3  }
0xa6: {  	v3 =	vld.idx.msk [tilespmem:v43+s9+$0x0], $0xffff  }
0xa7: {  	v44 =	vadd.s32 $0xAC00, v2;
	_ =	sdelay $0x3  }
0xa8: {  	[tilespmem:s19+$0x15300] =	vst v3  }
0xa9: {  	v3 =	vld.idx.msk [tilespmem:v44+s9+$0x0], $0xffff  }
0xaa: {  	v45 =	vadd.s32 $0xB000, v2;
	_ =	sdelay $0x3  }
0xab: {  	[tilespmem:s19+$0x15380] =	vst v3  }
0xac: {  	v3 =	vld.idx.msk [tilespmem:v45+s9+$0x0], $0xffff  }
0xad: {  	v46 =	vadd.s32 $0xB400, v2;
	_ =	sdelay $0x3  }
0xae: {  	[tilespmem:s19+$0x15400] =	vst v3  }
0xaf: {  	v3 =	vld.idx.msk [tilespmem:v46+s9+$0x0], $0xffff  }
0xb0: {  	v47 =	vadd.s32 $0xB800, v2;
	_ =	sdelay $0x3  }
0xb1: {  	[tilespmem:s19+$0x15480] =	vst v3  }
0xb2: {  	v3 =	vld.idx.msk [tilespmem:v47+s9+$0x0], $0xffff  }
0xb3: {  	v48 =	vadd.s32 $0xBC00, v2;
	_ =	sdelay $0x3  }
0xb4: {  	[tilespmem:s19+$0x15500] =	vst v3  }
0xb5: {  	v3 =	vld.idx.msk [tilespmem:v48+s9+$0x0], $0xffff  }
0xb6: {  	v49 =	vadd.s32 $0xC000, v2;
	_ =	sdelay $0x3  }
0xb7: {  	[tilespmem:s19+$0x15580] =	vst v3  }
0xb8: {  	v3 =	vld.idx.msk [tilespmem:v49+s9+$0x0], $0xffff  }
0xb9: {  	v50 =	vadd.s32 $0xC400, v2;
	_ =	sdelay $0x3  }
0xba: {  	[tilespmem:s19+$0x16200] =	vst v3  }
0xbb: {  	v3 =	vld.idx.msk [tilespmem:v50+s9+$0x0], $0xffff  }
0xbc: {  	v51 =	vadd.s32 $0xC800, v2;
	_ =	sdelay $0x3  }
0xbd: {  	[tilespmem:s19+$0x16280] =	vst v3  }
0xbe: {  	v3 =	vld.idx.msk [tilespmem:v51+s9+$0x0], $0xffff  }
0xbf: {  	v52 =	vadd.s32 $0xCC00, v2;
	_ =	sdelay $0x3  }
0xc0: {  	[tilespmem:s19+$0x16300] =	vst v3  }
0xc1: {  	v3 =	vld.idx.msk [tilespmem:v52+s9+$0x0], $0xffff  }
0xc2: {  	v53 =	vadd.s32 $0xD000, v2;
	_ =	sdelay $0x3  }
0xc3: {  	[tilespmem:s19+$0x16380] =	vst v3  }
0xc4: {  	v3 =	vld.idx.msk [tilespmem:v53+s9+$0x0], $0xffff  }
0xc5: {  	v54 =	vadd.s32 $0xD400, v2;
	_ =	sdelay $0x3  }
0xc6: {  	[tilespmem:s19+$0x16400] =	vst v3  }
0xc7: {  	v3 =	vld.idx.msk [tilespmem:v54+s9+$0x0], $0xffff  }
0xc8: {  	v55 =	vadd.s32 $0xD800, v2;
	_ =	sdelay $0x3  }
0xc9: {  	[tilespmem:s19+$0x16480] =	vst v3  }
0xca: {  	v3 =	vld.idx.msk [tilespmem:v55+s9+$0x0], $0xffff  }
0xcb: {  	v56 =	vadd.s32 $0xDC00, v2;
	_ =	sdelay $0x3  }
0xcc: {  	[tilespmem:s19+$0x16500] =	vst v3  }
0xcd: {  	v3 =	vld.idx.msk [tilespmem:v56+s9+$0x0], $0xffff  }
0xce: {  	v57 =	vadd.s32 $0xE000, v2;
	_ =	sdelay $0x3  }
0xcf: {  	[tilespmem:s19+$0x16580] =	vst v3  }
0xd0: {  	v3 =	vld.idx.msk [tilespmem:v57+s9+$0x0], $0xffff  }
0xd1: {  	v58 =	vadd.s32 $0xE400, v2;
	_ =	sdelay $0x3  }
0xd2: {  	[tilespmem:s19+$0x17200] =	vst v3  }
0xd3: {  	v3 =	vld.idx.msk [tilespmem:v58+s9+$0x0], $0xffff  }
0xd4: {  	v59 =	vadd.s32 $0xE800, v2;
	_ =	sdelay $0x3  }
0xd5: {  	[tilespmem:s19+$0x17280] =	vst v3  }
0xd6: {  	v3 =	vld.idx.msk [tilespmem:v59+s9+$0x0], $0xffff  }
0xd7: {  	v60 =	vadd.s32 $0xEC00, v2;
	_ =	sdelay $0x3  }
0xd8: {  	[tilespmem:s19+$0x17300] =	vst v3  }
0xd9: {  	v3 =	vld.idx.msk [tilespmem:v60+s9+$0x0], $0xffff  }
0xda: {  	v61 =	vadd.s32 $0xF000, v2;
	_ =	sdelay $0x3  }
0xdb: {  	[tilespmem:s19+$0x17380] =	vst v3  }
0xdc: {  	v3 =	vld.idx.msk [tilespmem:v61+s9+$0x0], $0xffff  }
0xdd: {  	v62 =	vadd.s32 $0xF400, v2;
	_ =	sdelay $0x3  }
0xde: {  	[tilespmem:s19+$0x17400] =	vst v3  }
0xdf: {  	v3 =	vld.idx.msk [tilespmem:v62+s9+$0x0], $0xffff  }
0xe0: {  	v63 =	vadd.s32 $0xF800, v2;
	_ =	sdelay $0x3  }
0xe1: {  	[tilespmem:s19+$0x17480] =	vst v3  }
0xe2: {  	v3 =	vld.idx.msk [tilespmem:v63+s9+$0x0], $0xffff  }
0xe3: {  	v2 =	vadd.s32 $0xFC00, v2;
	_ =	sdelay $0x3  }
0xe4: {  	[tilespmem:s19+$0x17500] =	vst v3  }
0xe5: {  	p1 =	sne.s32 s18, $0x1F0;
	v2 =	vld.idx.msk [tilespmem:v2+s9+$0x0], $0xffff  }
.Ltmp1:
0xe6: {  	_ = 	snop;
	(pc) =	sbr.rel @p1 .LBB2_4-.Ltmp1, $3  }
0xe7: {  	_ =	sdelay $0x1  }
0xe8: {  	s17 =	sadd.s32 $0x80, s17  }
0xe9: {  	s15 =	sadd.s32 $0x10, s15;
	s16 =	sadd.s32 $0x10, s16;
	s18 =	sadd.s32 $0x10, s18;
	[tilespmem:s19+$0x17580] =	vst v2  }
0xea: {  	[hbm4b:s6+s10] =	stream.strided.scatter [tilespmem:s12], [sflag:$0x1], $0x8000, s11, s10, $0x38;
	[tilespmem:$0x18840] =	vst v63  }
0xeb: {  	_ =	swait.ge [sflag:s4], $0x8000  }
0xec: {  	[sflag:s4] =	ssyncset.done $0x0  }
0xed: {  	[sflag:s4] =	ssyncadd.s32 $0xFFFF8000  }
0xee: {  	[bflag:$0x0] =	sbarrier.arrive $0xFFFF  }
0xef: {  	[spmem:s2] =	stream.indirect.scatter.add.f32 [tilespmem:s13], [sflag:$0x1], $0x1, s3, s9, $0xb8;
	[tilespmem:$0x18840] =	vst v63  }
0xf0: {  	s15 =	sshrl.u32 @!p0 s2, $0x3;
	s16 =	simm.s32 @!p0 $0x1;
	_ =	swait.ge [sflag:s4], $0x200  }
0xf1: {  	s17 =	simm.s32 @!p0 $0x20;
	s14 =	sadd.s32 $0x1, s14;
	[sflag:s4] =	ssyncset.done $0x0  }
0xf2: {  	s18 =	simm.s32 @!p0 $0x10;
	p1 =	sne.s32 s14, s8;
	[sflag:s4] =	ssyncadd.s32 $0xFFFFFE00  }
.Ltmp2:
0xf3: {  	s19 =	simm.s32 @!p0 $0x1C01;
	[bflag:$0x0] =	sbarrier.arrive $0xFFFF;
	(pc) =	sbr.rel @p1 .LBB2_1-.Ltmp2, $4  }
0xf4: {  	[hbm:s7@s17], [sflag:s19] =	dma.strided @!p0 [spmem:s15@s18], $0x80, s16, $0x10   }
0xf5: {  	_ =	swait.ge @!p0 [sflag:s16], $0x80  }
0xf6: {  	[sflag:s16] =	ssyncset.done @!p0 $0x0  }
0xf7: {  	[sflag:s16] =	ssyncadd.s32 @!p0 $0xFFFFFF80  }
0xf8: {  	_ =	sfence.sel $0x180000  }
0xf9: {  	[bflag:$0x0] =	sbarrier.arrive $0xFFFF  }
0xfa: {  	_ =	strace $0x90000047  }
0xfb: {  	s0 =	sadd.s32 @!p0 $0x100000, s1;
	[bflag:$0x2] =	sbarrier.arrive $0xFFFF  }
0xfc: {  	[sflag:s0] =	ssyncadd.tile.s32 @!p0 $0x1;
	_ =	shalt  }
.Lfunc_end2:
_tile_overlayer_lowered:
.L_overlay_start_2:
0xfd: {  	(tag) =	ssettag $0x2  }
0xfe: {  	s0 =	rddreg [dreg:$0x0];
	s2 =	stileid.u32  }
0xff: {  	s1 =	rddreg [dreg:$0x1];
	p0 =	sne.s32 s2, $0x0  }
0x100: {  	s3 =	rddreg [dreg:$0x2];
	[bflag:$0x3] =	sbarrier.arrive $0xFFFF;
	s2 =	simm.s32 @!p0 $0x1C01  }
0x101: {  	[timem:s3], [sflag:s2] =	dma.local @!p0 [hbm:s0], s1  }
0x102: {  	s0 =	simm.s32 @!p0 $0x1  }
0x103: {  	_ =	swait.ge @!p0 [sflag:s0], s1  }
0x104: {  	s1 =	ssub.s32 @!p0 $0x0, s1;
	[sflag:s0] =	ssyncset.done @!p0 $0x0  }
0x105: {  	[sflag:s0] =	ssyncadd.s32 @!p0 s1  }
0x106: {  	[bflag:$0x3] =	sbarrier.arrive $0xFFFF  }
0x107: {  	_ =	shalt  }

</sc_bundles>
